<compile_context>
chip_gen: v7x
topology: tpu7x:2x2x1
jax: 0.10.2.dev20260603
libtpu: 0.0.44.dev20260713+nightly
codegen_flags: <defaults>
</compile_context>

<pallas_src>
import math

import jax
import jax.numpy as jnp
from jax import lax
from jax.experimental import pallas as pl
from jax.experimental.pallas import tpu as pltpu
from jax.experimental.pallas import tpu_sc as plsc

N = 10000
E = 320000
D = 128
H = 8
C = D // H
DK = 2 * D
WPAD = 16

NC, NS = 2, 16
NW = NC * NS
CHUNK = 128
NCHUNK = E // CHUNK
ITERS = (NCHUNK + NW - 1) // NW
NP = 10240
NHALF = NP // NC
SROWS = NHALF + 8
RPT_HALF = NHALF // NS
ITERS2 = (NCHUNK + NS - 1) // NS

RN = 1000
RN2 = 640
BE = 2000


def _node_tables_kernel(x_ref, wall_ref, ball_ref, q_ref, kv_ref, s_ref):
    t = jnp.dot(x_ref[...], wall_ref[...], preferred_element_type=jnp.float32) + ball_ref[...]
    q_ref[...] = t[:, :D]
    kv_ref[...] = t[:, D:D + DK]
    s_ref[...] = x_ref[...] + t[:, D + DK:]


def _gather_body(q_hbm, kv_hbm, src_hbm, dst_hbm, gq_hbm, gkv_hbm,
                 idxs_v, idxd_v, qbuf, kvbuf, sem1, sem2):
    cid = lax.axis_index("c")
    sid = lax.axis_index("s")
    wid = sid * NC + cid

    def body(j, carry):
        c = j * NW + wid

        @pl.when(c < NCHUNK)
        def _():
            base = c * CHUNK
            ci1 = pltpu.async_copy(src_hbm.at[pl.ds(base, CHUNK)], idxs_v, sem1)
            ci2 = pltpu.async_copy(dst_hbm.at[pl.ds(base, CHUNK)], idxd_v, sem2)
            ci1.wait()
            ci2.wait()
            cp1 = pltpu.async_copy(kv_hbm.at[idxs_v], kvbuf, sem1)
            cp2 = pltpu.async_copy(q_hbm.at[idxd_v], qbuf, sem2)
            cp1.wait()
            cp2.wait()
            cw1 = pltpu.async_copy(kvbuf, gkv_hbm.at[pl.ds(base, CHUNK)], sem1)
            cw2 = pltpu.async_copy(qbuf, gq_hbm.at[pl.ds(base, CHUNK)], sem2)
            cw1.wait()
            cw2.wait()

        return carry

    lax.fori_loop(0, ITERS, body, 0)


def _edge_kernel(ea_ref, gq_ref, gkv_ref, wkv_ref, sel_ref, selt_ref,
                 wv_ref, w16_ref):
    ekv = jnp.dot(ea_ref[...], wkv_ref[...], preferred_element_type=jnp.float32)
    k = gkv_ref[:, :D] + ekv[:, :D]
    v = gkv_ref[:, D:] + ekv[:, D:]
    alpha = jnp.dot(gq_ref[...] * k, sel_ref[...],
                    preferred_element_type=jnp.float32)
    w = jnp.exp(alpha)
    wfull = jnp.dot(w, selt_ref[...], preferred_element_type=jnp.float32)
    wv_ref[...] = v * wfull
    w16_ref[...] = jnp.concatenate([w, jnp.zeros_like(w)], axis=1)


def _scatter_body(wv_hbm, dst_hbm, zn_hbm, nump_hbm,
                  idx_v, wvbuf, num_sh, sem):
    cid = lax.axis_index("c")
    sid = lax.axis_index("s")
    wid = sid * NC + cid
    r0 = sid * (NP // NS)

    pltpu.sync_copy(zn_hbm.at[pl.ds(r0, NP // NS)],
                    num_sh.at[pl.ds(r0, NP // NS)])
    plsc.subcore_barrier()

    def body(j, carry):
        c = j * NW + wid

        @pl.when(c < NCHUNK)
        def _():
            base = c * CHUNK
            pltpu.sync_copy(dst_hbm.at[pl.ds(base, CHUNK)], idx_v)
            pltpu.sync_copy(wv_hbm.at[pl.ds(base, CHUNK)], wvbuf)
            pltpu.sync_copy(wvbuf, num_sh.at[idx_v], add=True)

        return carry

    lax.fori_loop(0, ITERS, body, 0)
    plsc.subcore_barrier()

    pltpu.sync_copy(num_sh.at[pl.ds(r0, NP // NS)],
                    nump_hbm.at[cid, pl.ds(r0, NP // NS)])


def _sums_body(w16_hbm, dst_hbm, zt_hbm, s_all_hbm, idx_v, wbuf, stab):
    cid = lax.axis_index("c")
    sid = lax.axis_index("s")
    wid = sid * NC + cid

    pltpu.sync_copy(zt_hbm, stab)

    def body(j, carry):
        c = j * NW + wid

        @pl.when(c < NCHUNK)
        def _():
            base = c * CHUNK
            pltpu.sync_copy(dst_hbm.at[pl.ds(base, CHUNK)], idx_v)
            pltpu.sync_copy(w16_hbm.at[pl.ds(base, CHUNK)], wbuf)
            lanes = lax.iota(jnp.int32, 16)
            for g in range(CHUNK // 16):
                ebase = idx_v[pl.ds(g * 16, 16)] * H
                erow = lanes + (g * 16)
                for h in range(H):
                    hvec = jnp.full((16,), h, jnp.int32)
                    vals = plsc.load_gather(wbuf, [erow, hvec])
                    plsc.addupdate_scatter(stab, [ebase + h], vals)

        return carry

    lax.fori_loop(0, ITERS, body, 0)
    pltpu.sync_copy(stab, s_all_hbm.at[cid, sid])


def _final_kernel(num_ref, s_all_ref, s_skip_ref, selt_ref, w1_ref, b1_ref,
                  w2_ref, b2_ref, g1_ref, be1_ref, g2_ref, be2_ref, out_ref):
    num = num_ref[0] + num_ref[1]
    s8 = jnp.sum(s_all_ref[0, 0], axis=0) + jnp.sum(s_all_ref[0, 1], axis=0)
    sfull = jnp.dot(s8, selt_ref[...], preferred_element_type=jnp.float32) + 1e-16
    h = num / sfull + s_skip_ref[...]
    mu = jnp.mean(h, axis=-1, keepdims=True)
    var = jnp.mean((h - mu) ** 2, axis=-1, keepdims=True)
    h = (h - mu) * lax.rsqrt(var + 1e-5) * g1_ref[...] + be1_ref[...]
    ff = jnp.maximum(
        jnp.dot(h, w1_ref[...], preferred_element_type=jnp.float32) + b1_ref[...], 0.0)
    ff = jnp.dot(ff, w2_ref[...], preferred_element_type=jnp.float32) + b2_ref[...]
    h = h + ff
    mu = jnp.mean(h, axis=-1, keepdims=True)
    var = jnp.mean((h - mu) ** 2, axis=-1, keepdims=True)
    out_ref[...] = (h - mu) * lax.rsqrt(var + 1e-5) * g2_ref[...] + be2_ref[...]


def kernel(x, edge_index, edge_attr, Wq, bq, Wk, bk, Wv, bv, Ws, bs,
           g1, be1, W1, b1, W2, b2, g2, be2):
    src = edge_index[0]
    dst = edge_index[1]
    scale = 1.0 / math.sqrt(C)

    wall = jnp.concatenate([Wq * scale, Wk, Wv, Ws], axis=1)
    ball = jnp.concatenate([bq * scale, bk, bv, bs]).reshape(1, 4 * D)
    wkv = jnp.concatenate([Wk, Wv], axis=1)
    sel = (jnp.arange(D)[:, None] // C == jnp.arange(H)[None, :]).astype(jnp.float32)
    selt = sel.T

    q_t, kv_t, s_t = pl.pallas_call(
        _node_tables_kernel,
        grid=(N // RN,),
        in_specs=[pl.BlockSpec((RN, D), lambda i: (i, 0)),
                  pl.BlockSpec((D, 4 * D), lambda i: (0, 0)),
                  pl.BlockSpec((1, 4 * D), lambda i: (0, 0))],
        out_specs=[pl.BlockSpec((RN, D), lambda i: (i, 0)),
                   pl.BlockSpec((RN, DK), lambda i: (i, 0)),
                   pl.BlockSpec((RN, D), lambda i: (i, 0))],
        out_shape=[jax.ShapeDtypeStruct((N, D), jnp.float32),
                   jax.ShapeDtypeStruct((N, DK), jnp.float32),
                   jax.ShapeDtypeStruct((N, D), jnp.float32)],
    )(x, wall, ball)

    mesh = plsc.VectorSubcoreMesh(core_axis_name="c", subcore_axis_name="s")
    gq, gkv = pl.kernel(
        _gather_body,
        out_type=[jax.ShapeDtypeStruct((E, D), jnp.float32),
                  jax.ShapeDtypeStruct((E, DK), jnp.float32)],
        mesh=mesh,
        scratch_types=[pltpu.VMEM((CHUNK,), jnp.int32),
                       pltpu.VMEM((CHUNK,), jnp.int32),
                       pltpu.VMEM((CHUNK, D), jnp.float32),
                       pltpu.VMEM((CHUNK, DK), jnp.float32),
                       pltpu.SemaphoreType.DMA,
                       pltpu.SemaphoreType.DMA],
    )(q_t, kv_t, src, dst)

    wv, w16 = pl.pallas_call(
        _edge_kernel,
        grid=(E // BE,),
        in_specs=[pl.BlockSpec((BE, D), lambda i: (i, 0)),
                  pl.BlockSpec((BE, D), lambda i: (i, 0)),
                  pl.BlockSpec((BE, DK), lambda i: (i, 0)),
                  pl.BlockSpec((D, DK), lambda i: (0, 0)),
                  pl.BlockSpec((D, H), lambda i: (0, 0)),
                  pl.BlockSpec((H, D), lambda i: (0, 0))],
        out_specs=[pl.BlockSpec((BE, D), lambda i: (i, 0)),
                   pl.BlockSpec((BE, WPAD), lambda i: (i, 0))],
        out_shape=[jax.ShapeDtypeStruct((E, D), jnp.float32),
                   jax.ShapeDtypeStruct((E, WPAD), jnp.float32)],
    )(edge_attr, gq, gkv, wkv, sel, selt)

    zn = jnp.zeros((NP, D), jnp.float32)
    zt = jnp.zeros((NP * H,), jnp.float32)
    nump = pl.kernel(
        _scatter_body,
        out_type=jax.ShapeDtypeStruct((NC, NP, D), jnp.float32),
        mesh=mesh,
        scratch_types=[pltpu.VMEM((CHUNK,), jnp.int32),
                       pltpu.VMEM((CHUNK, D), jnp.float32),
                       pltpu.VMEM_SHARED((NP, D), jnp.float32),
                       pltpu.SemaphoreType.DMA],
    )(wv, dst, zn)
    s_all = pl.kernel(
        _sums_body,
        out_type=jax.ShapeDtypeStruct((NC, NS, NP * H), jnp.float32),
        mesh=mesh,
        compiler_params=pltpu.CompilerParams(needs_layout_passes=False),
        scratch_types=[pltpu.VMEM((CHUNK,), jnp.int32),
                       pltpu.VMEM((CHUNK, WPAD), jnp.float32),
                       pltpu.VMEM((NP * H,), jnp.float32)],
    )(w16, dst, zt)
    s_all = s_all.reshape(NC, NS, NP, H)

    out = pl.pallas_call(
        _final_kernel,
        grid=(NP // RN2,),
        in_specs=[pl.BlockSpec((NC, RN2, D), lambda i: (0, i, 0)),
                  pl.BlockSpec((1, NC, NS, RN2, H), lambda i: (0, 0, 0, i, 0)),
                  pl.BlockSpec((RN2, D), lambda i: (i, 0)),
                  pl.BlockSpec((H, D), lambda i: (0, 0)),
                  pl.BlockSpec((D, 2 * D), lambda i: (0, 0)),
                  pl.BlockSpec((1, 2 * D), lambda i: (0, 0)),
                  pl.BlockSpec((2 * D, D), lambda i: (0, 0)),
                  pl.BlockSpec((1, D), lambda i: (0, 0)),
                  pl.BlockSpec((1, D), lambda i: (0, 0)),
                  pl.BlockSpec((1, D), lambda i: (0, 0)),
                  pl.BlockSpec((1, D), lambda i: (0, 0)),
                  pl.BlockSpec((1, D), lambda i: (0, 0))],
        out_specs=pl.BlockSpec((RN2, D), lambda i: (i, 0)),
        out_shape=jax.ShapeDtypeStruct((N, D), jnp.float32),
    )(nump, s_all.reshape(1, NC, NS, NP, H), s_t, selt, W1, b1.reshape(1, 2 * D), W2, b2.reshape(1, D),
      g1.reshape(1, D), be1.reshape(1, D), g2.reshape(1, D), be2.reshape(1, D))

    return out

# --- scband reference (transcript-rebuilt; emitter-appended) ---
"""Pipeline reference for scband-sparse-edge-full-layer-17549236371611 (READ-ONLY COPY).

The authoritative reference and input builder live on the scoring server;
editing this copy changes nothing except your own understanding.
"""

import jax, jax.numpy as jnp
import numpy as np
import math

N = 10000
E = 320000
D = 128
H = 8
C = D // H
FF = 2 * D


def _lin_params(key, fin, fout):
    k1, k2 = jax.random.split(key)
    bound = 1.0 / math.sqrt(fin)
    W = jax.random.uniform(k1, (fin, fout), minval=-bound, maxval=bound, dtype=jnp.float32)
    b = jax.random.uniform(k2, (fout,), minval=-bound, maxval=bound, dtype=jnp.float32)
    return W, b


def setup_inputs(seed: int = 0) -> dict:
    key = jax.random.key(seed)
    ks = jax.random.split(key, 10)
    x = jax.random.normal(ks[0], (N, D), dtype=jnp.float32)
    edge_index = jax.random.randint(ks[1], (2, E), 0, N, dtype=jnp.int32)
    edge_attr = jax.random.normal(ks[2], (E, D), dtype=jnp.float32)
    Wq, bq = _lin_params(ks[3], D, D)
    Wk, bk = _lin_params(ks[4], D, D)
    Wv, bv = _lin_params(ks[5], D, D)
    Ws, bs = _lin_params(ks[6], D, D)
    W1, b1 = _lin_params(ks[7], D, FF)
    W2, b2 = _lin_params(ks[8], FF, D)
    g1 = jnp.ones((D,), jnp.float32); be1 = jnp.zeros((D,), jnp.float32)
    g2 = jnp.ones((D,), jnp.float32); be2 = jnp.zeros((D,), jnp.float32)
    return dict(x=x, edge_index=edge_index, edge_attr=edge_attr,
                Wq=Wq, bq=bq, Wk=Wk, bk=bk, Wv=Wv, bv=bv, Ws=Ws, bs=bs,
                g1=g1, be1=be1, W1=W1, b1=b1, W2=W2, b2=b2, g2=g2, be2=be2)


def _layernorm(h, g, b):
    mu = h.mean(-1, keepdims=True)
    var = ((h - mu) ** 2).mean(-1, keepdims=True)
    return (h - mu) / jnp.sqrt(var + 1e-5) * g + b


def _forward(x, edge_attr, Wq, bq, Wk, bk, Wv, bv, Ws, bs, g1, be1, W1, b1, W2, b2, g2, be2, src, dst):
    # SparseEdgeConv message: combine='add' -> key_j = value_j = x[src] + edge_attr
    kv_in = x[src] + edge_attr
    q = (x @ Wq + bq)[dst].reshape(E, H, C)
    k = (kv_in @ Wk + bk).reshape(E, H, C)
    v = (kv_in @ Wv + bv).reshape(E, H, C)
    alpha = (q * k).sum(-1) / math.sqrt(C)  # [E, H]
    # segment softmax over edges grouped by destination node
    m = jax.ops.segment_max(alpha, dst, num_segments=N)
    m = jnp.where(jnp.isfinite(m), m, 0.0)
    e = jnp.exp(alpha - m[dst])
    s = jax.ops.segment_sum(e, dst, num_segments=N)
    alpha = e / (s[dst] + 1e-16)
    # aggregate (aggr='add')
    out = jax.ops.segment_sum(v * alpha[..., None], dst, num_segments=N).reshape(N, D)
    # root weight skip inside conv
    out = out + x @ Ws + bs
    # full layer: residual + LayerNorm + FFN + residual + LayerNorm (dropout=0)
    h = x + out
    h = _layernorm(h, g1, be1)
    ff = jax.nn.relu(h @ W1 + b1) @ W2 + b2
    h = h + ff
    return _layernorm(h, g2, be2)


def reference(x, edge_index, edge_attr, Wq, bq, Wk, bk, Wv, bv, Ws, bs, g1, be1, W1, b1, W2, b2, g2, be2):
    return _forward(x, edge_attr, Wq, bq, Wk, bk, Wv, bv, Ws, bs, g1, be1, W1, b1, W2, b2, g2, be2,
                    edge_index[0], edge_index[1])

if __name__ == "__main__":
    import jax
    _d = setup_inputs()
    print(jax.jit(kernel)(*tuple(_d.values())))

</pallas_src>

<mosaic_0001>
#map = affine_map<(d0, d1) -> (0, 0)>
#map1 = affine_map<(d0, d1) -> (0)>
module attributes {stable_mosaic.version = 14 : i64} {
  func.func @_gather_body(%arg0: i32, %arg1: i32, %arg2: memref<10000x128xf32, #tpu.memory_space<hbm>>, %arg3: memref<10000x256xf32, #tpu.memory_space<hbm>>, %arg4: memref<320000xi32, #tpu.memory_space<hbm>>, %arg5: memref<320000xi32, #tpu.memory_space<hbm>>, %arg6: memref<320000x128xf32, #tpu.memory_space<hbm>>, %arg7: memref<320000x256xf32, #tpu.memory_space<hbm>>, %arg8: memref<128xi32, #tpu.memory_space<vmem>>, %arg9: memref<128xi32, #tpu.memory_space<vmem>>, %arg10: memref<128x128xf32, #tpu.memory_space<vmem>>, %arg11: memref<128x256xf32, #tpu.memory_space<vmem>>, %arg12: memref<!tpu.dma_semaphore, #tpu.memory_space<semaphore_mem>>, %arg13: memref<!tpu.dma_semaphore, #tpu.memory_space<semaphore_mem>>) attributes {dimension_semantics = [#tpu.dimension_semantics<core_parallel>, #tpu.dimension_semantics<subcore_parallel>], iteration_bounds = array<i64: 2, 16>, scalar_prefetch = 0 : i64, scratch_operands = 6 : i64, tpu.core_type = #tpu.core_type<sc_vector_subcore>, window_params = [{transform_indices = #map}, {transform_indices = #map}, {transform_indices = #map1}, {transform_indices = #map1}, {transform_indices = #map}, {transform_indices = #map}]} {
    %mul3A = arith.constant 2 : i32
    %mul3A_0 = arith.muli %arg1, %mul3A : i32
    %add3A = arith.addi %mul3A_0, %arg0 : i32
    %scan3A = arith.constant 0 : i32
    %scan3A_1 = arith.constant 0 : i32
    %scan3A_2 = arith.constant 79 : i32
    %scan3A_3 = arith.addi %scan3A_1, %scan3A_2 : i32
    %scan3A_4 = arith.constant 1 : i32
    scf.for %scan3A_6 = %scan3A_1 to %scan3A_3 step %scan3A_4  : i32 {
      %mul3A_7 = arith.constant 32 : i32
      %mul3A_8 = arith.muli %scan3A_6, %mul3A_7 : i32
      %add3A_9 = arith.addi %mul3A_8, %add3A : i32
      %lt3A = arith.constant 2500 : i32
      %lt3A_10 = arith.cmpi slt, %add3A_9, %lt3A : i32
      %convert_element_type3A = arith.extui %lt3A_10 : i1 to i32
      %cond3A = arith.constant 0 : i32
      %cond3A_11 = arith.cmpi ne, %convert_element_type3A, %cond3A : i32
      scf.if %cond3A_11 {
        %mul3A_12 = arith.constant 128 : i32
        %mul3A_13 = arith.muli %add3A_9, %mul3A_12 : i32
        %dma_start3A = tpu.memref_slice %arg4[%mul3A_13] : memref<320000xi32, #tpu.memory_space<hbm>> -> memref<128xi32, #tpu.memory_space<hbm>>
        %dma_start3A_14 = tpu.memref_slice %arg4[%mul3A_13] : memref<320000xi32, #tpu.memory_space<hbm>> -> memref<128xi32, #tpu.memory_space<hbm>>
        tpu.enqueue_dma source(%dma_start3A_14 : memref<128xi32, #tpu.memory_space<hbm>>) target(%arg8 : memref<128xi32, #tpu.memory_space<vmem>>) target_semaphore(%arg12 : memref<!tpu.dma_semaphore, #tpu.memory_space<semaphore_mem>>)
        %dma_start3A_15 = tpu.memref_slice %arg5[%mul3A_13] : memref<320000xi32, #tpu.memory_space<hbm>> -> memref<128xi32, #tpu.memory_space<hbm>>
        %dma_start3A_16 = tpu.memref_slice %arg5[%mul3A_13] : memref<320000xi32, #tpu.memory_space<hbm>> -> memref<128xi32, #tpu.memory_space<hbm>>
        tpu.enqueue_dma source(%dma_start3A_16 : memref<128xi32, #tpu.memory_space<hbm>>) target(%arg9 : memref<128xi32, #tpu.memory_space<vmem>>) target_semaphore(%arg13 : memref<!tpu.dma_semaphore, #tpu.memory_space<semaphore_mem>>)
        %dma_wait3A = tpu.memref_slice %arg4[%mul3A_13] : memref<320000xi32, #tpu.memory_space<hbm>> -> memref<128xi32, #tpu.memory_space<hbm>>
        %dma_wait3A_17 = tpu.memref_slice %arg4[%mul3A_13] : memref<320000xi32, #tpu.memory_space<hbm>> -> memref<128xi32, #tpu.memory_space<hbm>>
        tpu.wait_dma2 semaphore(%arg12 : memref<!tpu.dma_semaphore, #tpu.memory_space<semaphore_mem>>) src(%dma_wait3A_17 : memref<128xi32, #tpu.memory_space<hbm>>) dst(%arg8 : memref<128xi32, #tpu.memory_space<vmem>>)
        %dma_wait3A_18 = tpu.memref_slice %arg5[%mul3A_13] : memref<320000xi32, #tpu.memory_space<hbm>> -> memref<128xi32, #tpu.memory_space<hbm>>
        %dma_wait3A_19 = tpu.memref_slice %arg5[%mul3A_13] : memref<320000xi32, #tpu.memory_space<hbm>> -> memref<128xi32, #tpu.memory_space<hbm>>
        tpu.wait_dma2 semaphore(%arg13 : memref<!tpu.dma_semaphore, #tpu.memory_space<semaphore_mem>>) src(%dma_wait3A_19 : memref<128xi32, #tpu.memory_space<hbm>>) dst(%arg9 : memref<128xi32, #tpu.memory_space<vmem>>)
        %dma_start3A_20 = arith.constant 0 : i32
        %dma_start3A_21 = arith.constant 0 : i32
        %dma_start3A_22 = tpu.memref_slice %arg3[%dma_start3A_20, %dma_start3A_21] : memref<10000x256xf32, #tpu.memory_space<hbm>> -> memref<10000x256xf32, #tpu.memory_space<hbm>>
        tpu.enqueue_indirect_dma source(%dma_start3A_22 : memref<10000x256xf32, #tpu.memory_space<hbm>>) target(%arg11 : memref<128x256xf32, #tpu.memory_space<vmem>>) offsets(%arg8 : memref<128xi32, #tpu.memory_space<vmem>>) semaphore(%arg12 : memref<!tpu.dma_semaphore, #tpu.memory_space<semaphore_mem>>)
        %dma_start3A_23 = arith.constant 0 : i32
        %dma_start3A_24 = arith.constant 0 : i32
        %dma_start3A_25 = tpu.memref_slice %arg2[%dma_start3A_23, %dma_start3A_24] : memref<10000x128xf32, #tpu.memory_space<hbm>> -> memref<10000x128xf32, #tpu.memory_space<hbm>>
        tpu.enqueue_indirect_dma source(%dma_start3A_25 : memref<10000x128xf32, #tpu.memory_space<hbm>>) target(%arg10 : memref<128x128xf32, #tpu.memory_space<vmem>>) offsets(%arg9 : memref<128xi32, #tpu.memory_space<vmem>>) semaphore(%arg13 : memref<!tpu.dma_semaphore, #tpu.memory_space<semaphore_mem>>)
        %dma_wait3A_26 = arith.constant 0 : i32
        %dma_wait3A_27 = arith.constant 0 : i32
        %dma_wait3A_28 = tpu.memref_slice %arg3[%dma_wait3A_26, %dma_wait3A_27] : memref<10000x256xf32, #tpu.memory_space<hbm>> -> memref<10000x256xf32, #tpu.memory_space<hbm>>
        tpu.wait_indirect_dma semaphore(%arg12 : memref<!tpu.dma_semaphore, #tpu.memory_space<semaphore_mem>>) src(%dma_wait3A_28 : memref<10000x256xf32, #tpu.memory_space<hbm>>) dst(%arg11 : memref<128x256xf32, #tpu.memory_space<vmem>>)
        %dma_wait3A_29 = arith.constant 0 : i32
        %dma_wait3A_30 = arith.constant 0 : i32
        %dma_wait3A_31 = tpu.memref_slice %arg2[%dma_wait3A_29, %dma_wait3A_30] : memref<10000x128xf32, #tpu.memory_space<hbm>> -> memref<10000x128xf32, #tpu.memory_space<hbm>>
        tpu.wait_indirect_dma semaphore(%arg13 : memref<!tpu.dma_semaphore, #tpu.memory_space<semaphore_mem>>) src(%dma_wait3A_31 : memref<10000x128xf32, #tpu.memory_space<hbm>>) dst(%arg10 : memref<128x128xf32, #tpu.memory_space<vmem>>)
        %dma_start3A_32 = arith.constant 0 : i32
        %dma_start3A_33 = tpu.memref_slice %arg7[%mul3A_13, %dma_start3A_32] : memref<320000x256xf32, #tpu.memory_space<hbm>> -> memref<128x256xf32, #tpu.memory_space<hbm>>
        %dma_start3A_34 = arith.constant 0 : i32
        %dma_start3A_35 = tpu.memref_slice %arg7[%mul3A_13, %dma_start3A_34] : memref<320000x256xf32, #tpu.memory_space<hbm>> -> memref<128x256xf32, #tpu.memory_space<hbm>>
        tpu.enqueue_dma source(%arg11 : memref<128x256xf32, #tpu.memory_space<vmem>>) target(%dma_start3A_35 : memref<128x256xf32, #tpu.memory_space<hbm>>) target_semaphore(%arg12 : memref<!tpu.dma_semaphore, #tpu.memory_space<semaphore_mem>>)
        %dma_start3A_36 = arith.constant 0 : i32
        %dma_start3A_37 = tpu.memref_slice %arg6[%mul3A_13, %dma_start3A_36] : memref<320000x128xf32, #tpu.memory_space<hbm>> -> memref<128x128xf32, #tpu.memory_space<hbm>>
        %dma_start3A_38 = arith.constant 0 : i32
        %dma_start3A_39 = tpu.memref_slice %arg6[%mul3A_13, %dma_start3A_38] : memref<320000x128xf32, #tpu.memory_space<hbm>> -> memref<128x128xf32, #tpu.memory_space<hbm>>
        tpu.enqueue_dma source(%arg10 : memref<128x128xf32, #tpu.memory_space<vmem>>) target(%dma_start3A_39 : memref<128x128xf32, #tpu.memory_space<hbm>>) target_semaphore(%arg13 : memref<!tpu.dma_semaphore, #tpu.memory_space<semaphore_mem>>)
        %dma_wait3A_40 = arith.constant 0 : i32
        %dma_wait3A_41 = tpu.memref_slice %arg7[%mul3A_13, %dma_wait3A_40] : memref<320000x256xf32, #tpu.memory_space<hbm>> -> memref<128x256xf32, #tpu.memory_space<hbm>>
        %dma_wait3A_42 = arith.constant 0 : i32
        %dma_wait3A_43 = tpu.memref_slice %arg7[%mul3A_13, %dma_wait3A_42] : memref<320000x256xf32, #tpu.memory_space<hbm>> -> memref<128x256xf32, #tpu.memory_space<hbm>>
        tpu.wait_dma2 semaphore(%arg12 : memref<!tpu.dma_semaphore, #tpu.memory_space<semaphore_mem>>) src(%arg11 : memref<128x256xf32, #tpu.memory_space<vmem>>) dst(%dma_wait3A_43 : memref<128x256xf32, #tpu.memory_space<hbm>>)
        %dma_wait3A_44 = arith.constant 0 : i32
        %dma_wait3A_45 = tpu.memref_slice %arg6[%mul3A_13, %dma_wait3A_44] : memref<320000x128xf32, #tpu.memory_space<hbm>> -> memref<128x128xf32, #tpu.memory_space<hbm>>
        %dma_wait3A_46 = arith.constant 0 : i32
        %dma_wait3A_47 = tpu.memref_slice %arg6[%mul3A_13, %dma_wait3A_46] : memref<320000x128xf32, #tpu.memory_space<hbm>> -> memref<128x128xf32, #tpu.memory_space<hbm>>
        tpu.wait_dma2 semaphore(%arg13 : memref<!tpu.dma_semaphore, #tpu.memory_space<semaphore_mem>>) src(%arg10 : memref<128x128xf32, #tpu.memory_space<vmem>>) dst(%dma_wait3A_47 : memref<128x128xf32, #tpu.memory_space<hbm>>)
      } else {
      }
    }
    %scan3A_5 = arith.constant 79 : i32
    return
  }
}

#map = affine_map<(d0, d1) -> (0, 0)>
#map1 = affine_map<(d0, d1) -> (0)>
#map2 = affine_map<(d0, d1) -> (0, 0, 0)>
module attributes {stable_mosaic.version = 14 : i64} {
  func.func @_scatter_body(%arg0: i32, %arg1: i32, %arg2: memref<320000x128xf32, #tpu.memory_space<hbm>>, %arg3: memref<320000xi32, #tpu.memory_space<hbm>>, %arg4: memref<10240x128xf32, #tpu.memory_space<hbm>>, %arg5: memref<2x10240x128xf32, #tpu.memory_space<hbm>>, %arg6: memref<128xi32, #tpu.memory_space<vmem>>, %arg7: memref<128x128xf32, #tpu.memory_space<vmem>>, %arg8: memref<10240x128xf32, #tpu.memory_space<vmem_shared>>, %arg9: memref<!tpu.dma_semaphore, #tpu.memory_space<semaphore_mem>>) attributes {dimension_semantics = [#tpu.dimension_semantics<core_parallel>, #tpu.dimension_semantics<subcore_parallel>], iteration_bounds = array<i64: 2, 16>, scalar_prefetch = 0 : i64, scratch_operands = 4 : i64, tpu.core_type = #tpu.core_type<sc_vector_subcore>, window_params = [{transform_indices = #map}, {transform_indices = #map1}, {transform_indices = #map}, {transform_indices = #map2}]} {
    %mul3A = arith.constant 2 : i32
    %mul3A_0 = arith.muli %arg1, %mul3A : i32
    %add3A = arith.addi %mul3A_0, %arg0 : i32
    %mul3A_1 = arith.constant 640 : i32
    %mul3A_2 = arith.muli %arg1, %mul3A_1 : i32
    "tpu.region"() ({
      %run_scoped3A = tpu.sem_alloc : memref<!tpu.dma_semaphore, #tpu.memory_space<semaphore_mem>>
      %dma_start3A = arith.constant 0 : i32
      %dma_start3A_9 = tpu.memref_slice %arg8[%mul3A_2, %dma_start3A] : memref<10240x128xf32, #tpu.memory_space<vmem_shared>> -> memref<640x128xf32, #tpu.memory_space<vmem_shared>>
      %dma_start3A_10 = arith.constant 0 : i32
      %dma_start3A_11 = tpu.memref_slice %arg4[%mul3A_2, %dma_start3A_10] : memref<10240x128xf32, #tpu.memory_space<hbm>> -> memref<640x128xf32, #tpu.memory_space<hbm>>
      tpu.enqueue_dma source(%dma_start3A_11 : memref<640x128xf32, #tpu.memory_space<hbm>>) target(%dma_start3A_9 : memref<640x128xf32, #tpu.memory_space<vmem_shared>>) target_semaphore(%run_scoped3A : memref<!tpu.dma_semaphore, #tpu.memory_space<semaphore_mem>>)
      %dma_wait3A = arith.constant 0 : i32
      %dma_wait3A_12 = tpu.memref_slice %arg8[%mul3A_2, %dma_wait3A] : memref<10240x128xf32, #tpu.memory_space<vmem_shared>> -> memref<640x128xf32, #tpu.memory_space<vmem_shared>>
      %dma_wait3A_13 = arith.constant 0 : i32
      %dma_wait3A_14 = tpu.memref_slice %arg4[%mul3A_2, %dma_wait3A_13] : memref<10240x128xf32, #tpu.memory_space<hbm>> -> memref<640x128xf32, #tpu.memory_space<hbm>>
      tpu.wait_dma2 semaphore(%run_scoped3A : memref<!tpu.dma_semaphore, #tpu.memory_space<semaphore_mem>>) src(%dma_wait3A_14 : memref<640x128xf32, #tpu.memory_space<hbm>>) dst(%dma_wait3A_12 : memref<640x128xf32, #tpu.memory_space<vmem_shared>>)
      tpu.yield
    }) : () -> ()
    %barrier3A = arith.constant 0 : index
    tpu.barrier barrier_id(%barrier3A)
    %scan3A = arith.constant 0 : i32
    %scan3A_3 = arith.constant 0 : i32
    %scan3A_4 = arith.constant 79 : i32
    %scan3A_5 = arith.addi %scan3A_3, %scan3A_4 : i32
    %scan3A_6 = arith.constant 1 : i32
    scf.for %scan3A_9 = %scan3A_3 to %scan3A_5 step %scan3A_6  : i32 {
      %mul3A_10 = arith.constant 32 : i32
      %mul3A_11 = arith.muli %scan3A_9, %mul3A_10 : i32
      %add3A_12 = arith.addi %mul3A_11, %add3A : i32
      %lt3A = arith.constant 2500 : i32
      %lt3A_13 = arith.cmpi slt, %add3A_12, %lt3A : i32
      %convert_element_type3A = arith.extui %lt3A_13 : i1 to i32
      %cond3A = arith.constant 0 : i32
      %cond3A_14 = arith.cmpi ne, %convert_element_type3A, %cond3A : i32
      scf.if %cond3A_14 {
        %mul3A_15 = arith.constant 128 : i32
        %mul3A_16 = arith.muli %add3A_12, %mul3A_15 : i32
        "tpu.region"() ({
          %run_scoped3A = tpu.sem_alloc : memref<!tpu.dma_semaphore, #tpu.memory_space<semaphore_mem>>
          %dma_start3A = tpu.memref_slice %arg3[%mul3A_16] : memref<320000xi32, #tpu.memory_space<hbm>> -> memref<128xi32, #tpu.memory_space<hbm>>
          %dma_start3A_17 = tpu.memref_slice %arg3[%mul3A_16] : memref<320000xi32, #tpu.memory_space<hbm>> -> memref<128xi32, #tpu.memory_space<hbm>>
          tpu.enqueue_dma source(%dma_start3A_17 : memref<128xi32, #tpu.memory_space<hbm>>) target(%arg6 : memref<128xi32, #tpu.memory_space<vmem>>) target_semaphore(%run_scoped3A : memref<!tpu.dma_semaphore, #tpu.memory_space<semaphore_mem>>)
          %dma_wait3A = tpu.memref_slice %arg3[%mul3A_16] : memref<320000xi32, #tpu.memory_space<hbm>> -> memref<128xi32, #tpu.memory_space<hbm>>
          %dma_wait3A_18 = tpu.memref_slice %arg3[%mul3A_16] : memref<320000xi32, #tpu.memory_space<hbm>> -> memref<128xi32, #tpu.memory_space<hbm>>
          tpu.wait_dma2 semaphore(%run_scoped3A : memref<!tpu.dma_semaphore, #tpu.memory_space<semaphore_mem>>) src(%dma_wait3A_18 : memref<128xi32, #tpu.memory_space<hbm>>) dst(%arg6 : memref<128xi32, #tpu.memory_space<vmem>>)
          tpu.yield
        }) : () -> ()
        "tpu.region"() ({
          %run_scoped3A = tpu.sem_alloc : memref<!tpu.dma_semaphore, #tpu.memory_space<semaphore_mem>>
          %dma_start3A = arith.constant 0 : i32
          %dma_start3A_17 = tpu.memref_slice %arg2[%mul3A_16, %dma_start3A] : memref<320000x128xf32, #tpu.memory_space<hbm>> -> memref<128x128xf32, #tpu.memory_space<hbm>>
          %dma_start3A_18 = arith.constant 0 : i32
          %dma_start3A_19 = tpu.memref_slice %arg2[%mul3A_16, %dma_start3A_18] : memref<320000x128xf32, #tpu.memory_space<hbm>> -> memref<128x128xf32, #tpu.memory_space<hbm>>
          tpu.enqueue_dma source(%dma_start3A_19 : memref<128x128xf32, #tpu.memory_space<hbm>>) target(%arg7 : memref<128x128xf32, #tpu.memory_space<vmem>>) target_semaphore(%run_scoped3A : memref<!tpu.dma_semaphore, #tpu.memory_space<semaphore_mem>>)
          %dma_wait3A = arith.constant 0 : i32
          %dma_wait3A_20 = tpu.memref_slice %arg2[%mul3A_16, %dma_wait3A] : memref<320000x128xf32, #tpu.memory_space<hbm>> -> memref<128x128xf32, #tpu.memory_space<hbm>>
          %dma_wait3A_21 = arith.constant 0 : i32
          %dma_wait3A_22 = tpu.memref_slice %arg2[%mul3A_16, %dma_wait3A_21] : memref<320000x128xf32, #tpu.memory_space<hbm>> -> memref<128x128xf32, #tpu.memory_space<hbm>>
          tpu.wait_dma2 semaphore(%run_scoped3A : memref<!tpu.dma_semaphore, #tpu.memory_space<semaphore_mem>>) src(%dma_wait3A_22 : memref<128x128xf32, #tpu.memory_space<hbm>>) dst(%arg7 : memref<128x128xf32, #tpu.memory_space<vmem>>)
          tpu.yield
        }) : () -> ()
        "tpu.region"() ({
          %run_scoped3A = tpu.sem_alloc : memref<!tpu.dma_semaphore, #tpu.memory_space<semaphore_mem>>
          %dma_start3A = arith.constant 0 : i32
          %dma_start3A_17 = arith.constant 0 : i32
          %dma_start3A_18 = tpu.memref_slice %arg8[%dma_start3A, %dma_start3A_17] : memref<10240x128xf32, #tpu.memory_space<vmem_shared>> -> memref<10240x128xf32, #tpu.memory_space<vmem_shared>>
          tpu.enqueue_indirect_dma source(%arg7 : memref<128x128xf32, #tpu.memory_space<vmem>>) target(%dma_start3A_18 : memref<10240x128xf32, #tpu.memory_space<vmem_shared>>) offsets(%arg6 : memref<128xi32, #tpu.memory_space<vmem>>) semaphore(%run_scoped3A : memref<!tpu.dma_semaphore, #tpu.memory_space<semaphore_mem>>) {add = true}
          %dma_wait3A = arith.constant 0 : i32
          %dma_wait3A_19 = arith.constant 0 : i32
          %dma_wait3A_20 = tpu.memref_slice %arg8[%dma_wait3A, %dma_wait3A_19] : memref<10240x128xf32, #tpu.memory_space<vmem_shared>> -> memref<10240x128xf32, #tpu.memory_space<vmem_shared>>
          tpu.wait_indirect_dma semaphore(%run_scoped3A : memref<!tpu.dma_semaphore, #tpu.memory_space<semaphore_mem>>) src(%arg7 : memref<128x128xf32, #tpu.memory_space<vmem>>) dst(%dma_wait3A_20 : memref<10240x128xf32, #tpu.memory_space<vmem_shared>>)
          tpu.yield
        }) : () -> ()
      } else {
      }
    }
    %scan3A_7 = arith.constant 79 : i32
    %barrier3A_8 = arith.constant 0 : index
    tpu.barrier barrier_id(%barrier3A_8)
    "tpu.region"() ({
      %run_scoped3A = tpu.sem_alloc : memref<!tpu.dma_semaphore, #tpu.memory_space<semaphore_mem>>
      %dma_start3A = arith.constant 0 : i32
      %dma_start3A_9 = tpu.memref_slice %arg5[%arg0, %mul3A_2, %dma_start3A] : memref<2x10240x128xf32, #tpu.memory_space<hbm>> -> memref<1x640x128xf32, #tpu.memory_space<hbm>>
      %dma_start3A_10 = tpu.memref_squeeze %dma_start3A_9 : memref<1x640x128xf32, #tpu.memory_space<hbm>> -> memref<640x128xf32, #tpu.memory_space<hbm>>
      %dma_start3A_11 = arith.constant 0 : i32
      %dma_start3A_12 = tpu.memref_slice %arg8[%mul3A_2, %dma_start3A_11] : memref<10240x128xf32, #tpu.memory_space<vmem_shared>> -> memref<640x128xf32, #tpu.memory_space<vmem_shared>>
      tpu.enqueue_dma source(%dma_start3A_12 : memref<640x128xf32, #tpu.memory_space<vmem_shared>>) target(%dma_start3A_10 : memref<640x128xf32, #tpu.memory_space<hbm>>) target_semaphore(%run_scoped3A : memref<!tpu.dma_semaphore, #tpu.memory_space<semaphore_mem>>)
      %dma_wait3A = arith.constant 0 : i32
      %dma_wait3A_13 = tpu.memref_slice %arg5[%arg0, %mul3A_2, %dma_wait3A] : memref<2x10240x128xf32, #tpu.memory_space<hbm>> -> memref<1x640x128xf32, #tpu.memory_space<hbm>>
      %dma_wait3A_14 = tpu.memref_squeeze %dma_wait3A_13 : memref<1x640x128xf32, #tpu.memory_space<hbm>> -> memref<640x128xf32, #tpu.memory_space<hbm>>
      %dma_wait3A_15 = arith.constant 0 : i32
      %dma_wait3A_16 = tpu.memref_slice %arg8[%mul3A_2, %dma_wait3A_15] : memref<10240x128xf32, #tpu.memory_space<vmem_shared>> -> memref<640x128xf32, #tpu.memory_space<vmem_shared>>
      tpu.wait_dma2 semaphore(%run_scoped3A : memref<!tpu.dma_semaphore, #tpu.memory_space<semaphore_mem>>) src(%dma_wait3A_16 : memref<640x128xf32, #tpu.memory_space<vmem_shared>>) dst(%dma_wait3A_14 : memref<640x128xf32, #tpu.memory_space<hbm>>)
      tpu.yield
    }) : () -> ()
    return
  }
}

#map = affine_map<(d0, d1) -> (0, 0)>
#map1 = affine_map<(d0, d1) -> (0)>
#map2 = affine_map<(d0, d1) -> (0, 0, 0)>
module attributes {stable_mosaic.version = 14 : i64} {
  func.func @_sums_body(%arg0: i32, %arg1: i32, %arg2: memref<320000x16xf32, #tpu.memory_space<hbm>>, %arg3: memref<320000xi32, #tpu.memory_space<hbm>>, %arg4: memref<81920xf32, #tpu.memory_space<hbm>>, %arg5: memref<2x16x81920xf32, #tpu.memory_space<hbm>>, %arg6: memref<128xi32, #tpu.memory_space<vmem>>, %arg7: memref<128x16xf32, #tpu.memory_space<vmem>>, %arg8: memref<81920xf32, #tpu.memory_space<vmem>>) attributes {dimension_semantics = [#tpu.dimension_semantics<core_parallel>, #tpu.dimension_semantics<subcore_parallel>], iteration_bounds = array<i64: 2, 16>, scalar_prefetch = 0 : i64, scratch_operands = 3 : i64, tpu.core_type = #tpu.core_type<sc_vector_subcore>, window_params = [{transform_indices = #map}, {transform_indices = #map1}, {transform_indices = #map1}, {transform_indices = #map2}]} {
    %mul3A = arith.constant 2 : i32
    %mul3A_0 = arith.muli %arg1, %mul3A : i32
    %add3A = arith.addi %mul3A_0, %arg0 : i32
    "tpu.region"() ({
      %run_scoped3A = tpu.sem_alloc : memref<!tpu.dma_semaphore, #tpu.memory_space<semaphore_mem>>
      tpu.enqueue_dma source(%arg4 : memref<81920xf32, #tpu.memory_space<hbm>>) target(%arg8 : memref<81920xf32, #tpu.memory_space<vmem>>) target_semaphore(%run_scoped3A : memref<!tpu.dma_semaphore, #tpu.memory_space<semaphore_mem>>)
      tpu.wait_dma2 semaphore(%run_scoped3A : memref<!tpu.dma_semaphore, #tpu.memory_space<semaphore_mem>>) src(%arg4 : memref<81920xf32, #tpu.memory_space<hbm>>) dst(%arg8 : memref<81920xf32, #tpu.memory_space<vmem>>)
      tpu.yield
    }) : () -> ()
    %scan3A = arith.constant 0 : i32
    %scan3A_1 = arith.constant 0 : i32
    %scan3A_2 = arith.constant 79 : i32
    %scan3A_3 = arith.addi %scan3A_1, %scan3A_2 : i32
    %scan3A_4 = arith.constant 1 : i32
    scf.for %scan3A_6 = %scan3A_1 to %scan3A_3 step %scan3A_4  : i32 {
      %mul3A_7 = arith.constant 32 : i32
      %mul3A_8 = arith.muli %scan3A_6, %mul3A_7 : i32
      %add3A_9 = arith.addi %mul3A_8, %add3A : i32
      %lt3A = arith.constant 2500 : i32
      %lt3A_10 = arith.cmpi slt, %add3A_9, %lt3A : i32
      %convert_element_type3A = arith.extui %lt3A_10 : i1 to i32
      %cond3A = arith.constant 0 : i32
      %cond3A_11 = arith.cmpi ne, %convert_element_type3A, %cond3A : i32
      scf.if %cond3A_11 {
        %mul3A_12 = arith.constant 128 : i32
        %mul3A_13 = arith.muli %add3A_9, %mul3A_12 : i32
        "tpu.region"() ({
          %run_scoped3A = tpu.sem_alloc : memref<!tpu.dma_semaphore, #tpu.memory_space<semaphore_mem>>
          %dma_start3A = tpu.memref_slice %arg3[%mul3A_13] : memref<320000xi32, #tpu.memory_space<hbm>> -> memref<128xi32, #tpu.memory_space<hbm>>
          %dma_start3A_459 = tpu.memref_slice %arg3[%mul3A_13] : memref<320000xi32, #tpu.memory_space<hbm>> -> memref<128xi32, #tpu.memory_space<hbm>>
          tpu.enqueue_dma source(%dma_start3A_459 : memref<128xi32, #tpu.memory_space<hbm>>) target(%arg6 : memref<128xi32, #tpu.memory_space<vmem>>) target_semaphore(%run_scoped3A : memref<!tpu.dma_semaphore, #tpu.memory_space<semaphore_mem>>)
          %dma_wait3A = tpu.memref_slice %arg3[%mul3A_13] : memref<320000xi32, #tpu.memory_space<hbm>> -> memref<128xi32, #tpu.memory_space<hbm>>
          %dma_wait3A_460 = tpu.memref_slice %arg3[%mul3A_13] : memref<320000xi32, #tpu.memory_space<hbm>> -> memref<128xi32, #tpu.memory_space<hbm>>
          tpu.wait_dma2 semaphore(%run_scoped3A : memref<!tpu.dma_semaphore, #tpu.memory_space<semaphore_mem>>) src(%dma_wait3A_460 : memref<128xi32, #tpu.memory_space<hbm>>) dst(%arg6 : memref<128xi32, #tpu.memory_space<vmem>>)
          tpu.yield
        }) : () -> ()
        "tpu.region"() ({
          %run_scoped3A = tpu.sem_alloc : memref<!tpu.dma_semaphore, #tpu.memory_space<semaphore_mem>>
          %dma_start3A = arith.constant 0 : i32
          %dma_start3A_459 = tpu.memref_slice %arg2[%mul3A_13, %dma_start3A] : memref<320000x16xf32, #tpu.memory_space<hbm>> -> memref<128x16xf32, #tpu.memory_space<hbm>>
          %dma_start3A_460 = arith.constant 0 : i32
          %dma_start3A_461 = tpu.memref_slice %arg2[%mul3A_13, %dma_start3A_460] : memref<320000x16xf32, #tpu.memory_space<hbm>> -> memref<128x16xf32, #tpu.memory_space<hbm>>
          tpu.enqueue_dma source(%dma_start3A_461 : memref<128x16xf32, #tpu.memory_space<hbm>>) target(%arg7 : memref<128x16xf32, #tpu.memory_space<vmem>>) target_semaphore(%run_scoped3A : memref<!tpu.dma_semaphore, #tpu.memory_space<semaphore_mem>>)
          %dma_wait3A = arith.constant 0 : i32
          %dma_wait3A_462 = tpu.memref_slice %arg2[%mul3A_13, %dma_wait3A] : memref<320000x16xf32, #tpu.memory_space<hbm>> -> memref<128x16xf32, #tpu.memory_space<hbm>>
          %dma_wait3A_463 = arith.constant 0 : i32
          %dma_wait3A_464 = tpu.memref_slice %arg2[%mul3A_13, %dma_wait3A_463] : memref<320000x16xf32, #tpu.memory_space<hbm>> -> memref<128x16xf32, #tpu.memory_space<hbm>>
          tpu.wait_dma2 semaphore(%run_scoped3A : memref<!tpu.dma_semaphore, #tpu.memory_space<semaphore_mem>>) src(%dma_wait3A_464 : memref<128x16xf32, #tpu.memory_space<hbm>>) dst(%arg7 : memref<128x16xf32, #tpu.memory_space<vmem>>)
          tpu.yield
        }) : () -> ()
        %iota3A = tpu.iota {dimensions = array<i32: 0>} : vector<16xi32>
        %get3A = arith.constant 0 : index
        %get3A_14 = tpu.vector_load %arg6[%get3A] {strides = array<i32>} : memref<128xi32, #tpu.memory_space<vmem>>, vector<16xi32>,
        %mul3A_15 = arith.constant 8 : i32
        %mul3A_16 = vector.broadcast %mul3A_15 : i32 to vector<16xi32>
        %mul3A_17 = arith.muli %get3A_14, %mul3A_16 : vector<16xi32>
        %add3A_18 = arith.constant 0 : i32
        %add3A_19 = vector.broadcast %add3A_18 : i32 to vector<16xi32>
        %add3A_20 = arith.addi %iota3A, %add3A_19 : vector<16xi32>
        %broadcast_in_dim3A = arith.constant 0 : i32
        %broadcast_in_dim3A_21 = vector.broadcast %broadcast_in_dim3A : i32 to vector<16xi32>
        %gather3A = tpu.vector_load_idx %arg7[%add3A_20, %broadcast_in_dim3A_21] : memref<128x16xf32, #tpu.memory_space<vmem>>[vector<16xi32>, vector<16xi32>], vector<16xf32>,
        %add3A_22 = arith.constant 0 : i32
        %add3A_23 = vector.broadcast %add3A_22 : i32 to vector<16xi32>
        %add3A_24 = arith.addi %mul3A_17, %add3A_23 : vector<16xi32>
        tpu.vector_store_idx %arg8[%add3A_24], %gather3A {add = true} : memref<81920xf32, #tpu.memory_space<vmem>>[vector<16xi32>], vector<16xf32>,
        %broadcast_in_dim3A_25 = arith.constant 1 : i32
        %broadcast_in_dim3A_26 = vector.broadcast %broadcast_in_dim3A_25 : i32 to vector<16xi32>
        %gather3A_27 = tpu.vector_load_idx %arg7[%add3A_20, %broadcast_in_dim3A_26] : memref<128x16xf32, #tpu.memory_space<vmem>>[vector<16xi32>, vector<16xi32>], vector<16xf32>,
        %add3A_28 = arith.constant 1 : i32
        %add3A_29 = vector.broadcast %add3A_28 : i32 to vector<16xi32>
        %add3A_30 = arith.addi %mul3A_17, %add3A_29 : vector<16xi32>
        tpu.vector_store_idx %arg8[%add3A_30], %gather3A_27 {add = true} : memref<81920xf32, #tpu.memory_space<vmem>>[vector<16xi32>], vector<16xf32>,
        %broadcast_in_dim3A_31 = arith.constant 2 : i32
        %broadcast_in_dim3A_32 = vector.broadcast %broadcast_in_dim3A_31 : i32 to vector<16xi32>
        %gather3A_33 = tpu.vector_load_idx %arg7[%add3A_20, %broadcast_in_dim3A_32] : memref<128x16xf32, #tpu.memory_space<vmem>>[vector<16xi32>, vector<16xi32>], vector<16xf32>,
        %add3A_34 = arith.constant 2 : i32
        %add3A_35 = vector.broadcast %add3A_34 : i32 to vector<16xi32>
        %add3A_36 = arith.addi %mul3A_17, %add3A_35 : vector<16xi32>
        tpu.vector_store_idx %arg8[%add3A_36], %gather3A_33 {add = true} : memref<81920xf32, #tpu.memory_space<vmem>>[vector<16xi32>], vector<16xf32>,
        %broadcast_in_dim3A_37 = arith.constant 3 : i32
        %broadcast_in_dim3A_38 = vector.broadcast %broadcast_in_dim3A_37 : i32 to vector<16xi32>
        %gather3A_39 = tpu.vector_load_idx %arg7[%add3A_20, %broadcast_in_dim3A_38] : memref<128x16xf32, #tpu.memory_space<vmem>>[vector<16xi32>, vector<16xi32>], vector<16xf32>,
        %add3A_40 = arith.constant 3 : i32
        %add3A_41 = vector.broadcast %add3A_40 : i32 to vector<16xi32>
        %add3A_42 = arith.addi %mul3A_17, %add3A_41 : vector<16xi32>
        tpu.vector_store_idx %arg8[%add3A_42], %gather3A_39 {add = true} : memref<81920xf32, #tpu.memory_space<vmem>>[vector<16xi32>], vector<16xf32>,
        %broadcast_in_dim3A_43 = arith.constant 4 : i32
        %broadcast_in_dim3A_44 = vector.broadcast %broadcast_in_dim3A_43 : i32 to vector<16xi32>
        %gather3A_45 = tpu.vector_load_idx %arg7[%add3A_20, %broadcast_in_dim3A_44] : memref<128x16xf32, #tpu.memory_space<vmem>>[vector<16xi32>, vector<16xi32>], vector<16xf32>,
        %add3A_46 = arith.constant 4 : i32
        %add3A_47 = vector.broadcast %add3A_46 : i32 to vector<16xi32>
        %add3A_48 = arith.addi %mul3A_17, %add3A_47 : vector<16xi32>
        tpu.vector_store_idx %arg8[%add3A_48], %gather3A_45 {add = true} : memref<81920xf32, #tpu.memory_space<vmem>>[vector<16xi32>], vector<16xf32>,
        %broadcast_in_dim3A_49 = arith.constant 5 : i32
        %broadcast_in_dim3A_50 = vector.broadcast %broadcast_in_dim3A_49 : i32 to vector<16xi32>
        %gather3A_51 = tpu.vector_load_idx %arg7[%add3A_20, %broadcast_in_dim3A_50] : memref<128x16xf32, #tpu.memory_space<vmem>>[vector<16xi32>, vector<16xi32>], vector<16xf32>,
        %add3A_52 = arith.constant 5 : i32
        %add3A_53 = vector.broadcast %add3A_52 : i32 to vector<16xi32>
        %add3A_54 = arith.addi %mul3A_17, %add3A_53 : vector<16xi32>
        tpu.vector_store_idx %arg8[%add3A_54], %gather3A_51 {add = true} : memref<81920xf32, #tpu.memory_space<vmem>>[vector<16xi32>], vector<16xf32>,
        %broadcast_in_dim3A_55 = arith.constant 6 : i32
        %broadcast_in_dim3A_56 = vector.broadcast %broadcast_in_dim3A_55 : i32 to vector<16xi32>
        %gather3A_57 = tpu.vector_load_idx %arg7[%add3A_20, %broadcast_in_dim3A_56] : memref<128x16xf32, #tpu.memory_space<vmem>>[vector<16xi32>, vector<16xi32>], vector<16xf32>,
        %add3A_58 = arith.constant 6 : i32
        %add3A_59 = vector.broadcast %add3A_58 : i32 to vector<16xi32>
        %add3A_60 = arith.addi %mul3A_17, %add3A_59 : vector<16xi32>
        tpu.vector_store_idx %arg8[%add3A_60], %gather3A_57 {add = true} : memref<81920xf32, #tpu.memory_space<vmem>>[vector<16xi32>], vector<16xf32>,
        %broadcast_in_dim3A_61 = arith.constant 7 : i32
        %broadcast_in_dim3A_62 = vector.broadcast %broadcast_in_dim3A_61 : i32 to vector<16xi32>
        %gather3A_63 = tpu.vector_load_idx %arg7[%add3A_20, %broadcast_in_dim3A_62] : memref<128x16xf32, #tpu.memory_space<vmem>>[vector<16xi32>, vector<16xi32>], vector<16xf32>,
        %add3A_64 = arith.constant 7 : i32
        %add3A_65 = vector.broadcast %add3A_64 : i32 to vector<16xi32>
        %add3A_66 = arith.addi %mul3A_17, %add3A_65 : vector<16xi32>
        tpu.vector_store_idx %arg8[%add3A_66], %gather3A_63 {add = true} : memref<81920xf32, #tpu.memory_space<vmem>>[vector<16xi32>], vector<16xf32>,
        %get3A_67 = arith.constant 16 : index
        %get3A_68 = tpu.vector_load %arg6[%get3A_67] {strides = array<i32>} : memref<128xi32, #tpu.memory_space<vmem>>, vector<16xi32>,
        %mul3A_69 = arith.constant 8 : i32
        %mul3A_70 = vector.broadcast %mul3A_69 : i32 to vector<16xi32>
        %mul3A_71 = arith.muli %get3A_68, %mul3A_70 : vector<16xi32>
        %add3A_72 = arith.constant 16 : i32
        %add3A_73 = vector.broadcast %add3A_72 : i32 to vector<16xi32>
        %add3A_74 = arith.addi %iota3A, %add3A_73 : vector<16xi32>
        %broadcast_in_dim3A_75 = arith.constant 0 : i32
        %broadcast_in_dim3A_76 = vector.broadcast %broadcast_in_dim3A_75 : i32 to vector<16xi32>
        %gather3A_77 = tpu.vector_load_idx %arg7[%add3A_74, %broadcast_in_dim3A_76] : memref<128x16xf32, #tpu.memory_space<vmem>>[vector<16xi32>, vector<16xi32>], vector<16xf32>,
        %add3A_78 = arith.constant 0 : i32
        %add3A_79 = vector.broadcast %add3A_78 : i32 to vector<16xi32>
        %add3A_80 = arith.addi %mul3A_71, %add3A_79 : vector<16xi32>
        tpu.vector_store_idx %arg8[%add3A_80], %gather3A_77 {add = true} : memref<81920xf32, #tpu.memory_space<vmem>>[vector<16xi32>], vector<16xf32>,
        %broadcast_in_dim3A_81 = arith.constant 1 : i32
        %broadcast_in_dim3A_82 = vector.broadcast %broadcast_in_dim3A_81 : i32 to vector<16xi32>
        %gather3A_83 = tpu.vector_load_idx %arg7[%add3A_74, %broadcast_in_dim3A_82] : memref<128x16xf32, #tpu.memory_space<vmem>>[vector<16xi32>, vector<16xi32>], vector<16xf32>,
        %add3A_84 = arith.constant 1 : i32
        %add3A_85 = vector.broadcast %add3A_84 : i32 to vector<16xi32>
        %add3A_86 = arith.addi %mul3A_71, %add3A_85 : vector<16xi32>
        tpu.vector_store_idx %arg8[%add3A_86], %gather3A_83 {add = true} : memref<81920xf32, #tpu.memory_space<vmem>>[vector<16xi32>], vector<16xf32>,
        %broadcast_in_dim3A_87 = arith.constant 2 : i32
        %broadcast_in_dim3A_88 = vector.broadcast %broadcast_in_dim3A_87 : i32 to vector<16xi32>
        %gather3A_89 = tpu.vector_load_idx %arg7[%add3A_74, %broadcast_in_dim3A_88] : memref<128x16xf32, #tpu.memory_space<vmem>>[vector<16xi32>, vector<16xi32>], vector<16xf32>,
        %add3A_90 = arith.constant 2 : i32
        %add3A_91 = vector.broadcast %add3A_90 : i32 to vector<16xi32>
        %add3A_92 = arith.addi %mul3A_71, %add3A_91 : vector<16xi32>
        tpu.vector_store_idx %arg8[%add3A_92], %gather3A_89 {add = true} : memref<81920xf32, #tpu.memory_space<vmem>>[vector<16xi32>], vector<16xf32>,
        %broadcast_in_dim3A_93 = arith.constant 3 : i32
        %broadcast_in_dim3A_94 = vector.broadcast %broadcast_in_dim3A_93 : i32 to vector<16xi32>
        %gather3A_95 = tpu.vector_load_idx %arg7[%add3A_74, %broadcast_in_dim3A_94] : memref<128x16xf32, #tpu.memory_space<vmem>>[vector<16xi32>, vector<16xi32>], vector<16xf32>,
        %add3A_96 = arith.constant 3 : i32
        %add3A_97 = vector.broadcast %add3A_96 : i32 to vector<16xi32>
        %add3A_98 = arith.addi %mul3A_71, %add3A_97 : vector<16xi32>
        tpu.vector_store_idx %arg8[%add3A_98], %gather3A_95 {add = true} : memref<81920xf32, #tpu.memory_space<vmem>>[vector<16xi32>], vector<16xf32>,
        %broadcast_in_dim3A_99 = arith.constant 4 : i32
        %broadcast_in_dim3A_100 = vector.broadcast %broadcast_in_dim3A_99 : i32 to vector<16xi32>
        %gather3A_101 = tpu.vector_load_idx %arg7[%add3A_74, %broadcast_in_dim3A_100] : memref<128x16xf32, #tpu.memory_space<vmem>>[vector<16xi32>, vector<16xi32>], vector<16xf32>,
        %add3A_102 = arith.constant 4 : i32
        %add3A_103 = vector.broadcast %add3A_102 : i32 to vector<16xi32>
        %add3A_104 = arith.addi %mul3A_71, %add3A_103 : vector<16xi32>
        tpu.vector_store_idx %arg8[%add3A_104], %gather3A_101 {add = true} : memref<81920xf32, #tpu.memory_space<vmem>>[vector<16xi32>], vector<16xf32>,
        %broadcast_in_dim3A_105 = arith.constant 5 : i32
        %broadcast_in_dim3A_106 = vector.broadcast %broadcast_in_dim3A_105 : i32 to vector<16xi32>
        %gather3A_107 = tpu.vector_load_idx %arg7[%add3A_74, %broadcast_in_dim3A_106] : memref<128x16xf32, #tpu.memory_space<vmem>>[vector<16xi32>, vector<16xi32>], vector<16xf32>,
        %add3A_108 = arith.constant 5 : i32
        %add3A_109 = vector.broadcast %add3A_108 : i32 to vector<16xi32>
        %add3A_110 = arith.addi %mul3A_71, %add3A_109 : vector<16xi32>
        tpu.vector_store_idx %arg8[%add3A_110], %gather3A_107 {add = true} : memref<81920xf32, #tpu.memory_space<vmem>>[vector<16xi32>], vector<16xf32>,
        %broadcast_in_dim3A_111 = arith.constant 6 : i32
        %broadcast_in_dim3A_112 = vector.broadcast %broadcast_in_dim3A_111 : i32 to vector<16xi32>
        %gather3A_113 = tpu.vector_load_idx %arg7[%add3A_74, %broadcast_in_dim3A_112] : memref<128x16xf32, #tpu.memory_space<vmem>>[vector<16xi32>, vector<16xi32>], vector<16xf32>,
        %add3A_114 = arith.constant 6 : i32
        %add3A_115 = vector.broadcast %add3A_114 : i32 to vector<16xi32>
        %add3A_116 = arith.addi %mul3A_71, %add3A_115 : vector<16xi32>
        tpu.vector_store_idx %arg8[%add3A_116], %gather3A_113 {add = true} : memref<81920xf32, #tpu.memory_space<vmem>>[vector<16xi32>], vector<16xf32>,
        %broadcast_in_dim3A_117 = arith.constant 7 : i32
        %broadcast_in_dim3A_118 = vector.broadcast %broadcast_in_dim3A_117 : i32 to vector<16xi32>
        %gather3A_119 = tpu.vector_load_idx %arg7[%add3A_74, %broadcast_in_dim3A_118] : memref<128x16xf32, #tpu.memory_space<vmem>>[vector<16xi32>, vector<16xi32>], vector<16xf32>,
        %add3A_120 = arith.constant 7 : i32
        %add3A_121 = vector.broadcast %add3A_120 : i32 to vector<16xi32>
        %add3A_122 = arith.addi %mul3A_71, %add3A_121 : vector<16xi32>
        tpu.vector_store_idx %arg8[%add3A_122], %gather3A_119 {add = true} : memref<81920xf32, #tpu.memory_space<vmem>>[vector<16xi32>], vector<16xf32>,
        %get3A_123 = arith.constant 32 : index
        %get3A_124 = tpu.vector_load %arg6[%get3A_123] {strides = array<i32>} : memref<128xi32, #tpu.memory_space<vmem>>, vector<16xi32>,
        %mul3A_125 = arith.constant 8 : i32
        %mul3A_126 = vector.broadcast %mul3A_125 : i32 to vector<16xi32>
        %mul3A_127 = arith.muli %get3A_124, %mul3A_126 : vector<16xi32>
        %add3A_128 = arith.constant 32 : i32
        %add3A_129 = vector.broadcast %add3A_128 : i32 to vector<16xi32>
        %add3A_130 = arith.addi %iota3A, %add3A_129 : vector<16xi32>
        %broadcast_in_dim3A_131 = arith.constant 0 : i32
        %broadcast_in_dim3A_132 = vector.broadcast %broadcast_in_dim3A_131 : i32 to vector<16xi32>
        %gather3A_133 = tpu.vector_load_idx %arg7[%add3A_130, %broadcast_in_dim3A_132] : memref<128x16xf32, #tpu.memory_space<vmem>>[vector<16xi32>, vector<16xi32>], vector<16xf32>,
        %add3A_134 = arith.constant 0 : i32
        %add3A_135 = vector.broadcast %add3A_134 : i32 to vector<16xi32>
        %add3A_136 = arith.addi %mul3A_127, %add3A_135 : vector<16xi32>
        tpu.vector_store_idx %arg8[%add3A_136], %gather3A_133 {add = true} : memref<81920xf32, #tpu.memory_space<vmem>>[vector<16xi32>], vector<16xf32>,
        %broadcast_in_dim3A_137 = arith.constant 1 : i32
        %broadcast_in_dim3A_138 = vector.broadcast %broadcast_in_dim3A_137 : i32 to vector<16xi32>
        %gather3A_139 = tpu.vector_load_idx %arg7[%add3A_130, %broadcast_in_dim3A_138] : memref<128x16xf32, #tpu.memory_space<vmem>>[vector<16xi32>, vector<16xi32>], vector<16xf32>,
        %add3A_140 = arith.constant 1 : i32
        %add3A_141 = vector.broadcast %add3A_140 : i32 to vector<16xi32>
        %add3A_142 = arith.addi %mul3A_127, %add3A_141 : vector<16xi32>
        tpu.vector_store_idx %arg8[%add3A_142], %gather3A_139 {add = true} : memref<81920xf32, #tpu.memory_space<vmem>>[vector<16xi32>], vector<16xf32>,
        %broadcast_in_dim3A_143 = arith.constant 2 : i32
        %broadcast_in_dim3A_144 = vector.broadcast %broadcast_in_dim3A_143 : i32 to vector<16xi32>
        %gather3A_145 = tpu.vector_load_idx %arg7[%add3A_130, %broadcast_in_dim3A_144] : memref<128x16xf32, #tpu.memory_space<vmem>>[vector<16xi32>, vector<16xi32>], vector<16xf32>,
        %add3A_146 = arith.constant 2 : i32
        %add3A_147 = vector.broadcast %add3A_146 : i32 to vector<16xi32>
        %add3A_148 = arith.addi %mul3A_127, %add3A_147 : vector<16xi32>
        tpu.vector_store_idx %arg8[%add3A_148], %gather3A_145 {add = true} : memref<81920xf32, #tpu.memory_space<vmem>>[vector<16xi32>], vector<16xf32>,
        %broadcast_in_dim3A_149 = arith.constant 3 : i32
        %broadcast_in_dim3A_150 = vector.broadcast %broadcast_in_dim3A_149 : i32 to vector<16xi32>
        %gather3A_151 = tpu.vector_load_idx %arg7[%add3A_130, %broadcast_in_dim3A_150] : memref<128x16xf32, #tpu.memory_space<vmem>>[vector<16xi32>, vector<16xi32>], vector<16xf32>,
        %add3A_152 = arith.constant 3 : i32
        %add3A_153 = vector.broadcast %add3A_152 : i32 to vector<16xi32>
        %add3A_154 = arith.addi %mul3A_127, %add3A_153 : vector<16xi32>
        tpu.vector_store_idx %arg8[%add3A_154], %gather3A_151 {add = true} : memref<81920xf32, #tpu.memory_space<vmem>>[vector<16xi32>], vector<16xf32>,
        %broadcast_in_dim3A_155 = arith.constant 4 : i32
        %broadcast_in_dim3A_156 = vector.broadcast %broadcast_in_dim3A_155 : i32 to vector<16xi32>
        %gather3A_157 = tpu.vector_load_idx %arg7[%add3A_130, %broadcast_in_dim3A_156] : memref<128x16xf32, #tpu.memory_space<vmem>>[vector<16xi32>, vector<16xi32>], vector<16xf32>,
        %add3A_158 = arith.constant 4 : i32
        %add3A_159 = vector.broadcast %add3A_158 : i32 to vector<16xi32>
        %add3A_160 = arith.addi %mul3A_127, %add3A_159 : vector<16xi32>
        tpu.vector_store_idx %arg8[%add3A_160], %gather3A_157 {add = true} : memref<81920xf32, #tpu.memory_space<vmem>>[vector<16xi32>], vector<16xf32>,
        %broadcast_in_dim3A_161 = arith.constant 5 : i32
        %broadcast_in_dim3A_162 = vector.broadcast %broadcast_in_dim3A_161 : i32 to vector<16xi32>
        %gather3A_163 = tpu.vector_load_idx %arg7[%add3A_130, %broadcast_in_dim3A_162] : memref<128x16xf32, #tpu.memory_space<vmem>>[vector<16xi32>, vector<16xi32>], vector<16xf32>,
        %add3A_164 = arith.constant 5 : i32
        %add3A_165 = vector.broadcast %add3A_164 : i32 to vector<16xi32>
        %add3A_166 = arith.addi %mul3A_127, %add3A_165 : vector<16xi32>
        tpu.vector_store_idx %arg8[%add3A_166], %gather3A_163 {add = true} : memref<81920xf32, #tpu.memory_space<vmem>>[vector<16xi32>], vector<16xf32>,
        %broadcast_in_dim3A_167 = arith.constant 6 : i32
        %broadcast_in_dim3A_168 = vector.broadcast %broadcast_in_dim3A_167 : i32 to vector<16xi32>
        %gather3A_169 = tpu.vector_load_idx %arg7[%add3A_130, %broadcast_in_dim3A_168] : memref<128x16xf32, #tpu.memory_space<vmem>>[vector<16xi32>, vector<16xi32>], vector<16xf32>,
        %add3A_170 = arith.constant 6 : i32
        %add3A_171 = vector.broadcast %add3A_170 : i32 to vector<16xi32>
        %add3A_172 = arith.addi %mul3A_127, %add3A_171 : vector<16xi32>
        tpu.vector_store_idx %arg8[%add3A_172], %gather3A_169 {add = true} : memref<81920xf32, #tpu.memory_space<vmem>>[vector<16xi32>], vector<16xf32>,
        %broadcast_in_dim3A_173 = arith.constant 7 : i32
        %broadcast_in_dim3A_174 = vector.broadcast %broadcast_in_dim3A_173 : i32 to vector<16xi32>
        %gather3A_175 = tpu.vector_load_idx %arg7[%add3A_130, %broadcast_in_dim3A_174] : memref<128x16xf32, #tpu.memory_space<vmem>>[vector<16xi32>, vector<16xi32>], vector<16xf32>,
        %add3A_176 = arith.constant 7 : i32
        %add3A_177 = vector.broadcast %add3A_176 : i32 to vector<16xi32>
        %add3A_178 = arith.addi %mul3A_127, %add3A_177 : vector<16xi32>
        tpu.vector_store_idx %arg8[%add3A_178], %gather3A_175 {add = true} : memref<81920xf32, #tpu.memory_space<vmem>>[vector<16xi32>], vector<16xf32>,
        %get3A_179 = arith.constant 48 : index
        %get3A_180 = tpu.vector_load %arg6[%get3A_179] {strides = array<i32>} : memref<128xi32, #tpu.memory_space<vmem>>, vector<16xi32>,
        %mul3A_181 = arith.constant 8 : i32
        %mul3A_182 = vector.broadcast %mul3A_181 : i32 to vector<16xi32>
        %mul3A_183 = arith.muli %get3A_180, %mul3A_182 : vector<16xi32>
        %add3A_184 = arith.constant 48 : i32
        %add3A_185 = vector.broadcast %add3A_184 : i32 to vector<16xi32>
        %add3A_186 = arith.addi %iota3A, %add3A_185 : vector<16xi32>
        %broadcast_in_dim3A_187 = arith.constant 0 : i32
        %broadcast_in_dim3A_188 = vector.broadcast %broadcast_in_dim3A_187 : i32 to vector<16xi32>
        %gather3A_189 = tpu.vector_load_idx %arg7[%add3A_186, %broadcast_in_dim3A_188] : memref<128x16xf32, #tpu.memory_space<vmem>>[vector<16xi32>, vector<16xi32>], vector<16xf32>,
        %add3A_190 = arith.constant 0 : i32
        %add3A_191 = vector.broadcast %add3A_190 : i32 to vector<16xi32>
        %add3A_192 = arith.addi %mul3A_183, %add3A_191 : vector<16xi32>
        tpu.vector_store_idx %arg8[%add3A_192], %gather3A_189 {add = true} : memref<81920xf32, #tpu.memory_space<vmem>>[vector<16xi32>], vector<16xf32>,
        %broadcast_in_dim3A_193 = arith.constant 1 : i32
        %broadcast_in_dim3A_194 = vector.broadcast %broadcast_in_dim3A_193 : i32 to vector<16xi32>
        %gather3A_195 = tpu.vector_load_idx %arg7[%add3A_186, %broadcast_in_dim3A_194] : memref<128x16xf32, #tpu.memory_space<vmem>>[vector<16xi32>, vector<16xi32>], vector<16xf32>,
        %add3A_196 = arith.constant 1 : i32
        %add3A_197 = vector.broadcast %add3A_196 : i32 to vector<16xi32>
        %add3A_198 = arith.addi %mul3A_183, %add3A_197 : vector<16xi32>
        tpu.vector_store_idx %arg8[%add3A_198], %gather3A_195 {add = true} : memref<81920xf32, #tpu.memory_space<vmem>>[vector<16xi32>], vector<16xf32>,
        %broadcast_in_dim3A_199 = arith.constant 2 : i32
        %broadcast_in_dim3A_200 = vector.broadcast %broadcast_in_dim3A_199 : i32 to vector<16xi32>
        %gather3A_201 = tpu.vector_load_idx %arg7[%add3A_186, %broadcast_in_dim3A_200] : memref<128x16xf32, #tpu.memory_space<vmem>>[vector<16xi32>, vector<16xi32>], vector<16xf32>,
        %add3A_202 = arith.constant 2 : i32
        %add3A_203 = vector.broadcast %add3A_202 : i32 to vector<16xi32>
        %add3A_204 = arith.addi %mul3A_183, %add3A_203 : vector<16xi32>
        tpu.vector_store_idx %arg8[%add3A_204], %gather3A_201 {add = true} : memref<81920xf32, #tpu.memory_space<vmem>>[vector<16xi32>], vector<16xf32>,
        %broadcast_in_dim3A_205 = arith.constant 3 : i32
        %broadcast_in_dim3A_206 = vector.broadcast %broadcast_in_dim3A_205 : i32 to vector<16xi32>
        %gather3A_207 = tpu.vector_load_idx %arg7[%add3A_186, %broadcast_in_dim3A_206] : memref<128x16xf32, #tpu.memory_space<vmem>>[vector<16xi32>, vector<16xi32>], vector<16xf32>,
        %add3A_208 = arith.constant 3 : i32
        %add3A_209 = vector.broadcast %add3A_208 : i32 to vector<16xi32>
        %add3A_210 = arith.addi %mul3A_183, %add3A_209 : vector<16xi32>
        tpu.vector_store_idx %arg8[%add3A_210], %gather3A_207 {add = true} : memref<81920xf32, #tpu.memory_space<vmem>>[vector<16xi32>], vector<16xf32>,
        %broadcast_in_dim3A_211 = arith.constant 4 : i32
        %broadcast_in_dim3A_212 = vector.broadcast %broadcast_in_dim3A_211 : i32 to vector<16xi32>
        %gather3A_213 = tpu.vector_load_idx %arg7[%add3A_186, %broadcast_in_dim3A_212] : memref<128x16xf32, #tpu.memory_space<vmem>>[vector<16xi32>, vector<16xi32>], vector<16xf32>,
        %add3A_214 = arith.constant 4 : i32
        %add3A_215 = vector.broadcast %add3A_214 : i32 to vector<16xi32>
        %add3A_216 = arith.addi %mul3A_183, %add3A_215 : vector<16xi32>
        tpu.vector_store_idx %arg8[%add3A_216], %gather3A_213 {add = true} : memref<81920xf32, #tpu.memory_space<vmem>>[vector<16xi32>], vector<16xf32>,
        %broadcast_in_dim3A_217 = arith.constant 5 : i32
        %broadcast_in_dim3A_218 = vector.broadcast %broadcast_in_dim3A_217 : i32 to vector<16xi32>
        %gather3A_219 = tpu.vector_load_idx %arg7[%add3A_186, %broadcast_in_dim3A_218] : memref<128x16xf32, #tpu.memory_space<vmem>>[vector<16xi32>, vector<16xi32>], vector<16xf32>,
        %add3A_220 = arith.constant 5 : i32
        %add3A_221 = vector.broadcast %add3A_220 : i32 to vector<16xi32>
        %add3A_222 = arith.addi %mul3A_183, %add3A_221 : vector<16xi32>
        tpu.vector_store_idx %arg8[%add3A_222], %gather3A_219 {add = true} : memref<81920xf32, #tpu.memory_space<vmem>>[vector<16xi32>], vector<16xf32>,
        %broadcast_in_dim3A_223 = arith.constant 6 : i32
        %broadcast_in_dim3A_224 = vector.broadcast %broadcast_in_dim3A_223 : i32 to vector<16xi32>
        %gather3A_225 = tpu.vector_load_idx %arg7[%add3A_186, %broadcast_in_dim3A_224] : memref<128x16xf32, #tpu.memory_space<vmem>>[vector<16xi32>, vector<16xi32>], vector<16xf32>,
        %add3A_226 = arith.constant 6 : i32
        %add3A_227 = vector.broadcast %add3A_226 : i32 to vector<16xi32>
        %add3A_228 = arith.addi %mul3A_183, %add3A_227 : vector<16xi32>
        tpu.vector_store_idx %arg8[%add3A_228], %gather3A_225 {add = true} : memref<81920xf32, #tpu.memory_space<vmem>>[vector<16xi32>], vector<16xf32>,
        %broadcast_in_dim3A_229 = arith.constant 7 : i32
        %broadcast_in_dim3A_230 = vector.broadcast %broadcast_in_dim3A_229 : i32 to vector<16xi32>
        %gather3A_231 = tpu.vector_load_idx %arg7[%add3A_186, %broadcast_in_dim3A_230] : memref<128x16xf32, #tpu.memory_space<vmem>>[vector<16xi32>, vector<16xi32>], vector<16xf32>,
        %add3A_232 = arith.constant 7 : i32
        %add3A_233 = vector.broadcast %add3A_232 : i32 to vector<16xi32>
        %add3A_234 = arith.addi %mul3A_183, %add3A_233 : vector<16xi32>
        tpu.vector_store_idx %arg8[%add3A_234], %gather3A_231 {add = true} : memref<81920xf32, #tpu.memory_space<vmem>>[vector<16xi32>], vector<16xf32>,
        %get3A_235 = arith.constant 64 : index
        %get3A_236 = tpu.vector_load %arg6[%get3A_235] {strides = array<i32>} : memref<128xi32, #tpu.memory_space<vmem>>, vector<16xi32>,
        %mul3A_237 = arith.constant 8 : i32
        %mul3A_238 = vector.broadcast %mul3A_237 : i32 to vector<16xi32>
        %mul3A_239 = arith.muli %get3A_236, %mul3A_238 : vector<16xi32>
        %add3A_240 = arith.constant 64 : i32
        %add3A_241 = vector.broadcast %add3A_240 : i32 to vector<16xi32>
        %add3A_242 = arith.addi %iota3A, %add3A_241 : vector<16xi32>
        %broadcast_in_dim3A_243 = arith.constant 0 : i32
        %broadcast_in_dim3A_244 = vector.broadcast %broadcast_in_dim3A_243 : i32 to vector<16xi32>
        %gather3A_245 = tpu.vector_load_idx %arg7[%add3A_242, %broadcast_in_dim3A_244] : memref<128x16xf32, #tpu.memory_space<vmem>>[vector<16xi32>, vector<16xi32>], vector<16xf32>,
        %add3A_246 = arith.constant 0 : i32
        %add3A_247 = vector.broadcast %add3A_246 : i32 to vector<16xi32>
        %add3A_248 = arith.addi %mul3A_239, %add3A_247 : vector<16xi32>
        tpu.vector_store_idx %arg8[%add3A_248], %gather3A_245 {add = true} : memref<81920xf32, #tpu.memory_space<vmem>>[vector<16xi32>], vector<16xf32>,
        %broadcast_in_dim3A_249 = arith.constant 1 : i32
        %broadcast_in_dim3A_250 = vector.broadcast %broadcast_in_dim3A_249 : i32 to vector<16xi32>
        %gather3A_251 = tpu.vector_load_idx %arg7[%add3A_242, %broadcast_in_dim3A_250] : memref<128x16xf32, #tpu.memory_space<vmem>>[vector<16xi32>, vector<16xi32>], vector<16xf32>,
        %add3A_252 = arith.constant 1 : i32
        %add3A_253 = vector.broadcast %add3A_252 : i32 to vector<16xi32>
        %add3A_254 = arith.addi %mul3A_239, %add3A_253 : vector<16xi32>
        tpu.vector_store_idx %arg8[%add3A_254], %gather3A_251 {add = true} : memref<81920xf32, #tpu.memory_space<vmem>>[vector<16xi32>], vector<16xf32>,
        %broadcast_in_dim3A_255 = arith.constant 2 : i32
        %broadcast_in_dim3A_256 = vector.broadcast %broadcast_in_dim3A_255 : i32 to vector<16xi32>
        %gather3A_257 = tpu.vector_load_idx %arg7[%add3A_242, %broadcast_in_dim3A_256] : memref<128x16xf32, #tpu.memory_space<vmem>>[vector<16xi32>, vector<16xi32>], vector<16xf32>,
        %add3A_258 = arith.constant 2 : i32
        %add3A_259 = vector.broadcast %add3A_258 : i32 to vector<16xi32>
        %add3A_260 = arith.addi %mul3A_239, %add3A_259 : vector<16xi32>
        tpu.vector_store_idx %arg8[%add3A_260], %gather3A_257 {add = true} : memref<81920xf32, #tpu.memory_space<vmem>>[vector<16xi32>], vector<16xf32>,
        %broadcast_in_dim3A_261 = arith.constant 3 : i32
        %broadcast_in_dim3A_262 = vector.broadcast %broadcast_in_dim3A_261 : i32 to vector<16xi32>
        %gather3A_263 = tpu.vector_load_idx %arg7[%add3A_242, %broadcast_in_dim3A_262] : memref<128x16xf32, #tpu.memory_space<vmem>>[vector<16xi32>, vector<16xi32>], vector<16xf32>,
        %add3A_264 = arith.constant 3 : i32
        %add3A_265 = vector.broadcast %add3A_264 : i32 to vector<16xi32>
        %add3A_266 = arith.addi %mul3A_239, %add3A_265 : vector<16xi32>
        tpu.vector_store_idx %arg8[%add3A_266], %gather3A_263 {add = true} : memref<81920xf32, #tpu.memory_space<vmem>>[vector<16xi32>], vector<16xf32>,
        %broadcast_in_dim3A_267 = arith.constant 4 : i32
        %broadcast_in_dim3A_268 = vector.broadcast %broadcast_in_dim3A_267 : i32 to vector<16xi32>
        %gather3A_269 = tpu.vector_load_idx %arg7[%add3A_242, %broadcast_in_dim3A_268] : memref<128x16xf32, #tpu.memory_space<vmem>>[vector<16xi32>, vector<16xi32>], vector<16xf32>,
        %add3A_270 = arith.constant 4 : i32
        %add3A_271 = vector.broadcast %add3A_270 : i32 to vector<16xi32>
        %add3A_272 = arith.addi %mul3A_239, %add3A_271 : vector<16xi32>
        tpu.vector_store_idx %arg8[%add3A_272], %gather3A_269 {add = true} : memref<81920xf32, #tpu.memory_space<vmem>>[vector<16xi32>], vector<16xf32>,
        %broadcast_in_dim3A_273 = arith.constant 5 : i32
        %broadcast_in_dim3A_274 = vector.broadcast %broadcast_in_dim3A_273 : i32 to vector<16xi32>
        %gather3A_275 = tpu.vector_load_idx %arg7[%add3A_242, %broadcast_in_dim3A_274] : memref<128x16xf32, #tpu.memory_space<vmem>>[vector<16xi32>, vector<16xi32>], vector<16xf32>,
        %add3A_276 = arith.constant 5 : i32
        %add3A_277 = vector.broadcast %add3A_276 : i32 to vector<16xi32>
        %add3A_278 = arith.addi %mul3A_239, %add3A_277 : vector<16xi32>
        tpu.vector_store_idx %arg8[%add3A_278], %gather3A_275 {add = true} : memref<81920xf32, #tpu.memory_space<vmem>>[vector<16xi32>], vector<16xf32>,
        %broadcast_in_dim3A_279 = arith.constant 6 : i32
        %broadcast_in_dim3A_280 = vector.broadcast %broadcast_in_dim3A_279 : i32 to vector<16xi32>
        %gather3A_281 = tpu.vector_load_idx %arg7[%add3A_242, %broadcast_in_dim3A_280] : memref<128x16xf32, #tpu.memory_space<vmem>>[vector<16xi32>, vector<16xi32>], vector<16xf32>,
        %add3A_282 = arith.constant 6 : i32
        %add3A_283 = vector.broadcast %add3A_282 : i32 to vector<16xi32>
        %add3A_284 = arith.addi %mul3A_239, %add3A_283 : vector<16xi32>
        tpu.vector_store_idx %arg8[%add3A_284], %gather3A_281 {add = true} : memref<81920xf32, #tpu.memory_space<vmem>>[vector<16xi32>], vector<16xf32>,
        %broadcast_in_dim3A_285 = arith.constant 7 : i32
        %broadcast_in_dim3A_286 = vector.broadcast %broadcast_in_dim3A_285 : i32 to vector<16xi32>
        %gather3A_287 = tpu.vector_load_idx %arg7[%add3A_242, %broadcast_in_dim3A_286] : memref<128x16xf32, #tpu.memory_space<vmem>>[vector<16xi32>, vector<16xi32>], vector<16xf32>,
        %add3A_288 = arith.constant 7 : i32
        %add3A_289 = vector.broadcast %add3A_288 : i32 to vector<16xi32>
        %add3A_290 = arith.addi %mul3A_239, %add3A_289 : vector<16xi32>
        tpu.vector_store_idx %arg8[%add3A_290], %gather3A_287 {add = true} : memref<81920xf32, #tpu.memory_space<vmem>>[vector<16xi32>], vector<16xf32>,
        %get3A_291 = arith.constant 80 : index
        %get3A_292 = tpu.vector_load %arg6[%get3A_291] {strides = array<i32>} : memref<128xi32, #tpu.memory_space<vmem>>, vector<16xi32>,
        %mul3A_293 = arith.constant 8 : i32
        %mul3A_294 = vector.broadcast %mul3A_293 : i32 to vector<16xi32>
        %mul3A_295 = arith.muli %get3A_292, %mul3A_294 : vector<16xi32>
        %add3A_296 = arith.constant 80 : i32
        %add3A_297 = vector.broadcast %add3A_296 : i32 to vector<16xi32>
        %add3A_298 = arith.addi %iota3A, %add3A_297 : vector<16xi32>
        %broadcast_in_dim3A_299 = arith.constant 0 : i32
        %broadcast_in_dim3A_300 = vector.broadcast %broadcast_in_dim3A_299 : i32 to vector<16xi32>
        %gather3A_301 = tpu.vector_load_idx %arg7[%add3A_298, %broadcast_in_dim3A_300] : memref<128x16xf32, #tpu.memory_space<vmem>>[vector<16xi32>, vector<16xi32>], vector<16xf32>,
        %add3A_302 = arith.constant 0 : i32
        %add3A_303 = vector.broadcast %add3A_302 : i32 to vector<16xi32>
        %add3A_304 = arith.addi %mul3A_295, %add3A_303 : vector<16xi32>
        tpu.vector_store_idx %arg8[%add3A_304], %gather3A_301 {add = true} : memref<81920xf32, #tpu.memory_space<vmem>>[vector<16xi32>], vector<16xf32>,
        %broadcast_in_dim3A_305 = arith.constant 1 : i32
        %broadcast_in_dim3A_306 = vector.broadcast %broadcast_in_dim3A_305 : i32 to vector<16xi32>
        %gather3A_307 = tpu.vector_load_idx %arg7[%add3A_298, %broadcast_in_dim3A_306] : memref<128x16xf32, #tpu.memory_space<vmem>>[vector<16xi32>, vector<16xi32>], vector<16xf32>,
        %add3A_308 = arith.constant 1 : i32
        %add3A_309 = vector.broadcast %add3A_308 : i32 to vector<16xi32>
        %add3A_310 = arith.addi %mul3A_295, %add3A_309 : vector<16xi32>
        tpu.vector_store_idx %arg8[%add3A_310], %gather3A_307 {add = true} : memref<81920xf32, #tpu.memory_space<vmem>>[vector<16xi32>], vector<16xf32>,
        %broadcast_in_dim3A_311 = arith.constant 2 : i32
        %broadcast_in_dim3A_312 = vector.broadcast %broadcast_in_dim3A_311 : i32 to vector<16xi32>
        %gather3A_313 = tpu.vector_load_idx %arg7[%add3A_298, %broadcast_in_dim3A_312] : memref<128x16xf32, #tpu.memory_space<vmem>>[vector<16xi32>, vector<16xi32>], vector<16xf32>,
        %add3A_314 = arith.constant 2 : i32
        %add3A_315 = vector.broadcast %add3A_314 : i32 to vector<16xi32>
        %add3A_316 = arith.addi %mul3A_295, %add3A_315 : vector<16xi32>
        tpu.vector_store_idx %arg8[%add3A_316], %gather3A_313 {add = true} : memref<81920xf32, #tpu.memory_space<vmem>>[vector<16xi32>], vector<16xf32>,
        %broadcast_in_dim3A_317 = arith.constant 3 : i32
        %broadcast_in_dim3A_318 = vector.broadcast %broadcast_in_dim3A_317 : i32 to vector<16xi32>
        %gather3A_319 = tpu.vector_load_idx %arg7[%add3A_298, %broadcast_in_dim3A_318] : memref<128x16xf32, #tpu.memory_space<vmem>>[vector<16xi32>, vector<16xi32>], vector<16xf32>,
        %add3A_320 = arith.constant 3 : i32
        %add3A_321 = vector.broadcast %add3A_320 : i32 to vector<16xi32>
        %add3A_322 = arith.addi %mul3A_295, %add3A_321 : vector<16xi32>
        tpu.vector_store_idx %arg8[%add3A_322], %gather3A_319 {add = true} : memref<81920xf32, #tpu.memory_space<vmem>>[vector<16xi32>], vector<16xf32>,
        %broadcast_in_dim3A_323 = arith.constant 4 : i32
        %broadcast_in_dim3A_324 = vector.broadcast %broadcast_in_dim3A_323 : i32 to vector<16xi32>
        %gather3A_325 = tpu.vector_load_idx %arg7[%add3A_298, %broadcast_in_dim3A_324] : memref<128x16xf32, #tpu.memory_space<vmem>>[vector<16xi32>, vector<16xi32>], vector<16xf32>,
        %add3A_326 = arith.constant 4 : i32
        %add3A_327 = vector.broadcast %add3A_326 : i32 to vector<16xi32>
        %add3A_328 = arith.addi %mul3A_295, %add3A_327 : vector<16xi32>
        tpu.vector_store_idx %arg8[%add3A_328], %gather3A_325 {add = true} : memref<81920xf32, #tpu.memory_space<vmem>>[vector<16xi32>], vector<16xf32>,
        %broadcast_in_dim3A_329 = arith.constant 5 : i32
        %broadcast_in_dim3A_330 = vector.broadcast %broadcast_in_dim3A_329 : i32 to vector<16xi32>
        %gather3A_331 = tpu.vector_load_idx %arg7[%add3A_298, %broadcast_in_dim3A_330] : memref<128x16xf32, #tpu.memory_space<vmem>>[vector<16xi32>, vector<16xi32>], vector<16xf32>,
        %add3A_332 = arith.constant 5 : i32
        %add3A_333 = vector.broadcast %add3A_332 : i32 to vector<16xi32>
        %add3A_334 = arith.addi %mul3A_295, %add3A_333 : vector<16xi32>
        tpu.vector_store_idx %arg8[%add3A_334], %gather3A_331 {add = true} : memref<81920xf32, #tpu.memory_space<vmem>>[vector<16xi32>], vector<16xf32>,
        %broadcast_in_dim3A_335 = arith.constant 6 : i32
        %broadcast_in_dim3A_336 = vector.broadcast %broadcast_in_dim3A_335 : i32 to vector<16xi32>
        %gather3A_337 = tpu.vector_load_idx %arg7[%add3A_298, %broadcast_in_dim3A_336] : memref<128x16xf32, #tpu.memory_space<vmem>>[vector<16xi32>, vector<16xi32>], vector<16xf32>,
        %add3A_338 = arith.constant 6 : i32
        %add3A_339 = vector.broadcast %add3A_338 : i32 to vector<16xi32>
        %add3A_340 = arith.addi %mul3A_295, %add3A_339 : vector<16xi32>
        tpu.vector_store_idx %arg8[%add3A_340], %gather3A_337 {add = true} : memref<81920xf32, #tpu.memory_space<vmem>>[vector<16xi32>], vector<16xf32>,
        %broadcast_in_dim3A_341 = arith.constant 7 : i32
        %broadcast_in_dim3A_342 = vector.broadcast %broadcast_in_dim3A_341 : i32 to vector<16xi32>
        %gather3A_343 = tpu.vector_load_idx %arg7[%add3A_298, %broadcast_in_dim3A_342] : memref<128x16xf32, #tpu.memory_space<vmem>>[vector<16xi32>, vector<16xi32>], vector<16xf32>,
        %add3A_344 = arith.constant 7 : i32
        %add3A_345 = vector.broadcast %add3A_344 : i32 to vector<16xi32>
        %add3A_346 = arith.addi %mul3A_295, %add3A_345 : vector<16xi32>
        tpu.vector_store_idx %arg8[%add3A_346], %gather3A_343 {add = true} : memref<81920xf32, #tpu.memory_space<vmem>>[vector<16xi32>], vector<16xf32>,
        %get3A_347 = arith.constant 96 : index
        %get3A_348 = tpu.vector_load %arg6[%get3A_347] {strides = array<i32>} : memref<128xi32, #tpu.memory_space<vmem>>, vector<16xi32>,
        %mul3A_349 = arith.constant 8 : i32
        %mul3A_350 = vector.broadcast %mul3A_349 : i32 to vector<16xi32>
        %mul3A_351 = arith.muli %get3A_348, %mul3A_350 : vector<16xi32>
        %add3A_352 = arith.constant 96 : i32
        %add3A_353 = vector.broadcast %add3A_352 : i32 to vector<16xi32>
        %add3A_354 = arith.addi %iota3A, %add3A_353 : vector<16xi32>
        %broadcast_in_dim3A_355 = arith.constant 0 : i32
        %broadcast_in_dim3A_356 = vector.broadcast %broadcast_in_dim3A_355 : i32 to vector<16xi32>
        %gather3A_357 = tpu.vector_load_idx %arg7[%add3A_354, %broadcast_in_dim3A_356] : memref<128x16xf32, #tpu.memory_space<vmem>>[vector<16xi32>, vector<16xi32>], vector<16xf32>,
        %add3A_358 = arith.constant 0 : i32
        %add3A_359 = vector.broadcast %add3A_358 : i32 to vector<16xi32>
        %add3A_360 = arith.addi %mul3A_351, %add3A_359 : vector<16xi32>
        tpu.vector_store_idx %arg8[%add3A_360], %gather3A_357 {add = true} : memref<81920xf32, #tpu.memory_space<vmem>>[vector<16xi32>], vector<16xf32>,
        %broadcast_in_dim3A_361 = arith.constant 1 : i32
        %broadcast_in_dim3A_362 = vector.broadcast %broadcast_in_dim3A_361 : i32 to vector<16xi32>
        %gather3A_363 = tpu.vector_load_idx %arg7[%add3A_354, %broadcast_in_dim3A_362] : memref<128x16xf32, #tpu.memory_space<vmem>>[vector<16xi32>, vector<16xi32>], vector<16xf32>,
        %add3A_364 = arith.constant 1 : i32
        %add3A_365 = vector.broadcast %add3A_364 : i32 to vector<16xi32>
        %add3A_366 = arith.addi %mul3A_351, %add3A_365 : vector<16xi32>
        tpu.vector_store_idx %arg8[%add3A_366], %gather3A_363 {add = true} : memref<81920xf32, #tpu.memory_space<vmem>>[vector<16xi32>], vector<16xf32>,
        %broadcast_in_dim3A_367 = arith.constant 2 : i32
        %broadcast_in_dim3A_368 = vector.broadcast %broadcast_in_dim3A_367 : i32 to vector<16xi32>
        %gather3A_369 = tpu.vector_load_idx %arg7[%add3A_354, %broadcast_in_dim3A_368] : memref<128x16xf32, #tpu.memory_space<vmem>>[vector<16xi32>, vector<16xi32>], vector<16xf32>,
        %add3A_370 = arith.constant 2 : i32
        %add3A_371 = vector.broadcast %add3A_370 : i32 to vector<16xi32>
        %add3A_372 = arith.addi %mul3A_351, %add3A_371 : vector<16xi32>
        tpu.vector_store_idx %arg8[%add3A_372], %gather3A_369 {add = true} : memref<81920xf32, #tpu.memory_space<vmem>>[vector<16xi32>], vector<16xf32>,
        %broadcast_in_dim3A_373 = arith.constant 3 : i32
        %broadcast_in_dim3A_374 = vector.broadcast %broadcast_in_dim3A_373 : i32 to vector<16xi32>
        %gather3A_375 = tpu.vector_load_idx %arg7[%add3A_354, %broadcast_in_dim3A_374] : memref<128x16xf32, #tpu.memory_space<vmem>>[vector<16xi32>, vector<16xi32>], vector<16xf32>,
        %add3A_376 = arith.constant 3 : i32
        %add3A_377 = vector.broadcast %add3A_376 : i32 to vector<16xi32>
        %add3A_378 = arith.addi %mul3A_351, %add3A_377 : vector<16xi32>
        tpu.vector_store_idx %arg8[%add3A_378], %gather3A_375 {add = true} : memref<81920xf32, #tpu.memory_space<vmem>>[vector<16xi32>], vector<16xf32>,
        %broadcast_in_dim3A_379 = arith.constant 4 : i32
        %broadcast_in_dim3A_380 = vector.broadcast %broadcast_in_dim3A_379 : i32 to vector<16xi32>
        %gather3A_381 = tpu.vector_load_idx %arg7[%add3A_354, %broadcast_in_dim3A_380] : memref<128x16xf32, #tpu.memory_space<vmem>>[vector<16xi32>, vector<16xi32>], vector<16xf32>,
        %add3A_382 = arith.constant 4 : i32
        %add3A_383 = vector.broadcast %add3A_382 : i32 to vector<16xi32>
        %add3A_384 = arith.addi %mul3A_351, %add3A_383 : vector<16xi32>
        tpu.vector_store_idx %arg8[%add3A_384], %gather3A_381 {add = true} : memref<81920xf32, #tpu.memory_space<vmem>>[vector<16xi32>], vector<16xf32>,
        %broadcast_in_dim3A_385 = arith.constant 5 : i32
        %broadcast_in_dim3A_386 = vector.broadcast %broadcast_in_dim3A_385 : i32 to vector<16xi32>
        %gather3A_387 = tpu.vector_load_idx %arg7[%add3A_354, %broadcast_in_dim3A_386] : memref<128x16xf32, #tpu.memory_space<vmem>>[vector<16xi32>, vector<16xi32>], vector<16xf32>,
        %add3A_388 = arith.constant 5 : i32
        %add3A_389 = vector.broadcast %add3A_388 : i32 to vector<16xi32>
        %add3A_390 = arith.addi %mul3A_351, %add3A_389 : vector<16xi32>
        tpu.vector_store_idx %arg8[%add3A_390], %gather3A_387 {add = true} : memref<81920xf32, #tpu.memory_space<vmem>>[vector<16xi32>], vector<16xf32>,
        %broadcast_in_dim3A_391 = arith.constant 6 : i32
        %broadcast_in_dim3A_392 = vector.broadcast %broadcast_in_dim3A_391 : i32 to vector<16xi32>
        %gather3A_393 = tpu.vector_load_idx %arg7[%add3A_354, %broadcast_in_dim3A_392] : memref<128x16xf32, #tpu.memory_space<vmem>>[vector<16xi32>, vector<16xi32>], vector<16xf32>,
        %add3A_394 = arith.constant 6 : i32
        %add3A_395 = vector.broadcast %add3A_394 : i32 to vector<16xi32>
        %add3A_396 = arith.addi %mul3A_351, %add3A_395 : vector<16xi32>
        tpu.vector_store_idx %arg8[%add3A_396], %gather3A_393 {add = true} : memref<81920xf32, #tpu.memory_space<vmem>>[vector<16xi32>], vector<16xf32>,
        %broadcast_in_dim3A_397 = arith.constant 7 : i32
        %broadcast_in_dim3A_398 = vector.broadcast %broadcast_in_dim3A_397 : i32 to vector<16xi32>
        %gather3A_399 = tpu.vector_load_idx %arg7[%add3A_354, %broadcast_in_dim3A_398] : memref<128x16xf32, #tpu.memory_space<vmem>>[vector<16xi32>, vector<16xi32>], vector<16xf32>,
        %add3A_400 = arith.constant 7 : i32
        %add3A_401 = vector.broadcast %add3A_400 : i32 to vector<16xi32>
        %add3A_402 = arith.addi %mul3A_351, %add3A_401 : vector<16xi32>
        tpu.vector_store_idx %arg8[%add3A_402], %gather3A_399 {add = true} : memref<81920xf32, #tpu.memory_space<vmem>>[vector<16xi32>], vector<16xf32>,
        %get3A_403 = arith.constant 112 : index
        %get3A_404 = tpu.vector_load %arg6[%get3A_403] {strides = array<i32>} : memref<128xi32, #tpu.memory_space<vmem>>, vector<16xi32>,
        %mul3A_405 = arith.constant 8 : i32
        %mul3A_406 = vector.broadcast %mul3A_405 : i32 to vector<16xi32>
        %mul3A_407 = arith.muli %get3A_404, %mul3A_406 : vector<16xi32>
        %add3A_408 = arith.constant 112 : i32
        %add3A_409 = vector.broadcast %add3A_408 : i32 to vector<16xi32>
        %add3A_410 = arith.addi %iota3A, %add3A_409 : vector<16xi32>
        %broadcast_in_dim3A_411 = arith.constant 0 : i32
        %broadcast_in_dim3A_412 = vector.broadcast %broadcast_in_dim3A_411 : i32 to vector<16xi32>
        %gather3A_413 = tpu.vector_load_idx %arg7[%add3A_410, %broadcast_in_dim3A_412] : memref<128x16xf32, #tpu.memory_space<vmem>>[vector<16xi32>, vector<16xi32>], vector<16xf32>,
        %add3A_414 = arith.constant 0 : i32
        %add3A_415 = vector.broadcast %add3A_414 : i32 to vector<16xi32>
        %add3A_416 = arith.addi %mul3A_407, %add3A_415 : vector<16xi32>
        tpu.vector_store_idx %arg8[%add3A_416], %gather3A_413 {add = true} : memref<81920xf32, #tpu.memory_space<vmem>>[vector<16xi32>], vector<16xf32>,
        %broadcast_in_dim3A_417 = arith.constant 1 : i32
        %broadcast_in_dim3A_418 = vector.broadcast %broadcast_in_dim3A_417 : i32 to vector<16xi32>
        %gather3A_419 = tpu.vector_load_idx %arg7[%add3A_410, %broadcast_in_dim3A_418] : memref<128x16xf32, #tpu.memory_space<vmem>>[vector<16xi32>, vector<16xi32>], vector<16xf32>,
        %add3A_420 = arith.constant 1 : i32
        %add3A_421 = vector.broadcast %add3A_420 : i32 to vector<16xi32>
        %add3A_422 = arith.addi %mul3A_407, %add3A_421 : vector<16xi32>
        tpu.vector_store_idx %arg8[%add3A_422], %gather3A_419 {add = true} : memref<81920xf32, #tpu.memory_space<vmem>>[vector<16xi32>], vector<16xf32>,
        %broadcast_in_dim3A_423 = arith.constant 2 : i32
        %broadcast_in_dim3A_424 = vector.broadcast %broadcast_in_dim3A_423 : i32 to vector<16xi32>
        %gather3A_425 = tpu.vector_load_idx %arg7[%add3A_410, %broadcast_in_dim3A_424] : memref<128x16xf32, #tpu.memory_space<vmem>>[vector<16xi32>, vector<16xi32>], vector<16xf32>,
        %add3A_426 = arith.constant 2 : i32
        %add3A_427 = vector.broadcast %add3A_426 : i32 to vector<16xi32>
        %add3A_428 = arith.addi %mul3A_407, %add3A_427 : vector<16xi32>
        tpu.vector_store_idx %arg8[%add3A_428], %gather3A_425 {add = true} : memref<81920xf32, #tpu.memory_space<vmem>>[vector<16xi32>], vector<16xf32>,
        %broadcast_in_dim3A_429 = arith.constant 3 : i32
        %broadcast_in_dim3A_430 = vector.broadcast %broadcast_in_dim3A_429 : i32 to vector<16xi32>
        %gather3A_431 = tpu.vector_load_idx %arg7[%add3A_410, %broadcast_in_dim3A_430] : memref<128x16xf32, #tpu.memory_space<vmem>>[vector<16xi32>, vector<16xi32>], vector<16xf32>,
        %add3A_432 = arith.constant 3 : i32
        %add3A_433 = vector.broadcast %add3A_432 : i32 to vector<16xi32>
        %add3A_434 = arith.addi %mul3A_407, %add3A_433 : vector<16xi32>
        tpu.vector_store_idx %arg8[%add3A_434], %gather3A_431 {add = true} : memref<81920xf32, #tpu.memory_space<vmem>>[vector<16xi32>], vector<16xf32>,
        %broadcast_in_dim3A_435 = arith.constant 4 : i32
        %broadcast_in_dim3A_436 = vector.broadcast %broadcast_in_dim3A_435 : i32 to vector<16xi32>
        %gather3A_437 = tpu.vector_load_idx %arg7[%add3A_410, %broadcast_in_dim3A_436] : memref<128x16xf32, #tpu.memory_space<vmem>>[vector<16xi32>, vector<16xi32>], vector<16xf32>,
        %add3A_438 = arith.constant 4 : i32
        %add3A_439 = vector.broadcast %add3A_438 : i32 to vector<16xi32>
        %add3A_440 = arith.addi %mul3A_407, %add3A_439 : vector<16xi32>
        tpu.vector_store_idx %arg8[%add3A_440], %gather3A_437 {add = true} : memref<81920xf32, #tpu.memory_space<vmem>>[vector<16xi32>], vector<16xf32>,
        %broadcast_in_dim3A_441 = arith.constant 5 : i32
        %broadcast_in_dim3A_442 = vector.broadcast %broadcast_in_dim3A_441 : i32 to vector<16xi32>
        %gather3A_443 = tpu.vector_load_idx %arg7[%add3A_410, %broadcast_in_dim3A_442] : memref<128x16xf32, #tpu.memory_space<vmem>>[vector<16xi32>, vector<16xi32>], vector<16xf32>,
        %add3A_444 = arith.constant 5 : i32
        %add3A_445 = vector.broadcast %add3A_444 : i32 to vector<16xi32>
        %add3A_446 = arith.addi %mul3A_407, %add3A_445 : vector<16xi32>
        tpu.vector_store_idx %arg8[%add3A_446], %gather3A_443 {add = true} : memref<81920xf32, #tpu.memory_space<vmem>>[vector<16xi32>], vector<16xf32>,
        %broadcast_in_dim3A_447 = arith.constant 6 : i32
        %broadcast_in_dim3A_448 = vector.broadcast %broadcast_in_dim3A_447 : i32 to vector<16xi32>
        %gather3A_449 = tpu.vector_load_idx %arg7[%add3A_410, %broadcast_in_dim3A_448] : memref<128x16xf32, #tpu.memory_space<vmem>>[vector<16xi32>, vector<16xi32>], vector<16xf32>,
        %add3A_450 = arith.constant 6 : i32
        %add3A_451 = vector.broadcast %add3A_450 : i32 to vector<16xi32>
        %add3A_452 = arith.addi %mul3A_407, %add3A_451 : vector<16xi32>
        tpu.vector_store_idx %arg8[%add3A_452], %gather3A_449 {add = true} : memref<81920xf32, #tpu.memory_space<vmem>>[vector<16xi32>], vector<16xf32>,
        %broadcast_in_dim3A_453 = arith.constant 7 : i32
        %broadcast_in_dim3A_454 = vector.broadcast %broadcast_in_dim3A_453 : i32 to vector<16xi32>
        %gather3A_455 = tpu.vector_load_idx %arg7[%add3A_410, %broadcast_in_dim3A_454] : memref<128x16xf32, #tpu.memory_space<vmem>>[vector<16xi32>, vector<16xi32>], vector<16xf32>,
        %add3A_456 = arith.constant 7 : i32
        %add3A_457 = vector.broadcast %add3A_456 : i32 to vector<16xi32>
        %add3A_458 = arith.addi %mul3A_407, %add3A_457 : vector<16xi32>
        tpu.vector_store_idx %arg8[%add3A_458], %gather3A_455 {add = true} : memref<81920xf32, #tpu.memory_space<vmem>>[vector<16xi32>], vector<16xf32>,
      } else {
      }
    }
    %scan3A_5 = arith.constant 79 : i32
    "tpu.region"() ({
      %run_scoped3A = tpu.sem_alloc : memref<!tpu.dma_semaphore, #tpu.memory_space<semaphore_mem>>
      %dma_start3A = arith.constant 0 : i32
      %dma_start3A_6 = tpu.memref_slice %arg5[%arg0, %arg1, %dma_start3A] : memref<2x16x81920xf32, #tpu.memory_space<hbm>> -> memref<1x1x81920xf32, #tpu.memory_space<hbm>>
      %dma_start3A_7 = tpu.memref_squeeze %dma_start3A_6 : memref<1x1x81920xf32, #tpu.memory_space<hbm>> -> memref<81920xf32, #tpu.memory_space<hbm>>
      %dma_start3A_8 = arith.constant 0 : i32
      %dma_start3A_9 = tpu.memref_slice %arg5[%arg0, %arg1, %dma_start3A_8] : memref<2x16x81920xf32, #tpu.memory_space<hbm>> -> memref<1x1x81920xf32, #tpu.memory_space<hbm>>
      %dma_start3A_10 = tpu.memref_squeeze %dma_start3A_9 : memref<1x1x81920xf32, #tpu.memory_space<hbm>> -> memref<81920xf32, #tpu.memory_space<hbm>>
      tpu.enqueue_dma source(%arg8 : memref<81920xf32, #tpu.memory_space<vmem>>) target(%dma_start3A_10 : memref<81920xf32, #tpu.memory_space<hbm>>) target_semaphore(%run_scoped3A : memref<!tpu.dma_semaphore, #tpu.memory_space<semaphore_mem>>)
      %dma_wait3A = arith.constant 0 : i32
      %dma_wait3A_11 = tpu.memref_slice %arg5[%arg0, %arg1, %dma_wait3A] : memref<2x16x81920xf32, #tpu.memory_space<hbm>> -> memref<1x1x81920xf32, #tpu.memory_space<hbm>>
      %dma_wait3A_12 = tpu.memref_squeeze %dma_wait3A_11 : memref<1x1x81920xf32, #tpu.memory_space<hbm>> -> memref<81920xf32, #tpu.memory_space<hbm>>
      %dma_wait3A_13 = arith.constant 0 : i32
      %dma_wait3A_14 = tpu.memref_slice %arg5[%arg0, %arg1, %dma_wait3A_13] : memref<2x16x81920xf32, #tpu.memory_space<hbm>> -> memref<1x1x81920xf32, #tpu.memory_space<hbm>>
      %dma_wait3A_15 = tpu.memref_squeeze %dma_wait3A_14 : memref<1x1x81920xf32, #tpu.memory_space<hbm>> -> memref<81920xf32, #tpu.memory_space<hbm>>
      tpu.wait_dma2 semaphore(%run_scoped3A : memref<!tpu.dma_semaphore, #tpu.memory_space<semaphore_mem>>) src(%arg8 : memref<81920xf32, #tpu.memory_space<vmem>>) dst(%dma_wait3A_15 : memref<81920xf32, #tpu.memory_space<hbm>>)
      tpu.yield
    }) : () -> ()
    return
  }
}

module attributes {stable_mosaic.version = 14 : i64} {
  func.func @_node_tables_kernel(%arg0: i32, %arg1: memref<1000x128xf32, #tpu.memory_space<vmem>>, %arg2: memref<128x512xf32, #tpu.memory_space<vmem>>, %arg3: memref<1x512xf32, #tpu.memory_space<vmem>>, %arg4: memref<1000x128xf32, #tpu.memory_space<vmem>>, %arg5: memref<1000x256xf32, #tpu.memory_space<vmem>>, %arg6: memref<1000x128xf32, #tpu.memory_space<vmem>>) attributes {dimension_semantics = [#tpu.dimension_semantics<arbitrary>], iteration_bounds = array<i64: 10>, scalar_prefetch = 0 : i64, scratch_operands = 0 : i64, tpu.core_type = #tpu.core_type<tc>, window_params = [{transform_indices = @transform_0, window_bounds = array<i64: 1000, 128>}, {pipeline_mode = #tpu.pipeline_mode<synchronous>, transform_indices = @transform_1, window_bounds = array<i64: 128, 512>}, {pipeline_mode = #tpu.pipeline_mode<synchronous>, transform_indices = @transform_2, window_bounds = array<i64: 1, 512>}, {transform_indices = @transform_3, window_bounds = array<i64: 1000, 128>}, {transform_indices = @transform_4, window_bounds = array<i64: 1000, 256>}, {transform_indices = @transform_5, window_bounds = array<i64: 1000, 128>}]} {
    %get3A = arith.constant 0 : index
    %get3A_0 = arith.constant 0 : index
    %get3A_1 = vector.load %arg1[%get3A, %get3A_0] : memref<1000x128xf32, #tpu.memory_space<vmem>>, vector<1000x128xf32>
    %get3A_2 = arith.constant 0 : index
    %get3A_3 = arith.constant 0 : index
    %get3A_4 = vector.load %arg2[%get3A_2, %get3A_3] : memref<128x512xf32, #tpu.memory_space<vmem>>, vector<128x512xf32>
    %dot_general3A = arith.constant dense<0.000000e+00> : vector<1000x512xf32>
    %dot_general3A_5 = tpu.matmul %get3A_1, %get3A_4, %dot_general3A {dimension_numbers = #tpu.dot_dimension_numbers<[1], [0], [0], [1], [0, 0, 1, 1], [], []>, transpose_lhs_hint = false} : vector<1000x128xf32>, vector<128x512xf32>, vector<1000x512xf32> -> vector<1000x512xf32>
    %get3A_6 = arith.constant 0 : index
    %get3A_7 = arith.constant 0 : index
    %get3A_8 = vector.load %arg3[%get3A_6, %get3A_7] : memref<1x512xf32, #tpu.memory_space<vmem>>, vector<1x512xf32>
    %add3A = vector.broadcast %get3A_8 : vector<1x512xf32> to vector<1000x512xf32>
    %add3A_9 = arith.addf %dot_general3A_5, %add3A : vector<1000x512xf32>
    %slice3A = vector.extract_strided_slice %add3A_9 {offsets = [0, 0], sizes = [1000, 128], strides = [1, 1]} : vector<1000x512xf32> to vector<1000x128xf32>
    %swap3A = arith.constant 0 : index
    %swap3A_10 = arith.constant 0 : index
    %swap3A_11 = vector.load %arg4[%swap3A, %swap3A_10] : memref<1000x128xf32, #tpu.memory_space<vmem>>, vector<1000x128xf32>
    tpu.vector_store %arg4[%swap3A, %swap3A_10], %slice3A {strides = array<i32>} : memref<1000x128xf32, #tpu.memory_space<vmem>>, vector<1000x128xf32>,
    %slice3A_12 = vector.extract_strided_slice %add3A_9 {offsets = [0, 128], sizes = [1000, 256], strides = [1, 1]} : vector<1000x512xf32> to vector<1000x256xf32>
    %swap3A_13 = arith.constant 0 : index
    %swap3A_14 = arith.constant 0 : index
    %swap3A_15 = vector.load %arg5[%swap3A_13, %swap3A_14] : memref<1000x256xf32, #tpu.memory_space<vmem>>, vector<1000x256xf32>
    tpu.vector_store %arg5[%swap3A_13, %swap3A_14], %slice3A_12 {strides = array<i32>} : memref<1000x256xf32, #tpu.memory_space<vmem>>, vector<1000x256xf32>,
    %get3A_16 = arith.constant 0 : index
    %get3A_17 = arith.constant 0 : index
    %get3A_18 = vector.load %arg1[%get3A_16, %get3A_17] : memref<1000x128xf32, #tpu.memory_space<vmem>>, vector<1000x128xf32>
    %slice3A_19 = vector.extract_strided_slice %add3A_9 {offsets = [0, 384], sizes = [1000, 128], strides = [1, 1]} : vector<1000x512xf32> to vector<1000x128xf32>
    %add3A_20 = arith.addf %get3A_18, %slice3A_19 : vector<1000x128xf32>
    %swap3A_21 = arith.constant 0 : index
    %swap3A_22 = arith.constant 0 : index
    %swap3A_23 = vector.load %arg6[%swap3A_21, %swap3A_22] : memref<1000x128xf32, #tpu.memory_space<vmem>>, vector<1000x128xf32>
    tpu.vector_store %arg6[%swap3A_21, %swap3A_22], %add3A_20 {strides = array<i32>} : memref<1000x128xf32, #tpu.memory_space<vmem>>, vector<1000x128xf32>,
    return
  }
  func.func @transform_0(%arg0: i32) -> (i32, i32) {
    %c0_i32 = arith.constant 0 : i32
    %c0_i32_0 = arith.constant 0 : i32
    return %arg0, %c0_i32 : i32, i32
  }
  func.func @transform_1(%arg0: i32) -> (i32, i32) {
    %c0_i32 = arith.constant 0 : i32
    %c0_i32_0 = arith.constant 0 : i32
    %c0_i32_1 = arith.constant 0 : i32
    return %c0_i32, %c0_i32_0 : i32, i32
  }
  func.func @transform_2(%arg0: i32) -> (i32, i32) {
    %c0_i32 = arith.constant 0 : i32
    %c0_i32_0 = arith.constant 0 : i32
    %c0_i32_1 = arith.constant 0 : i32
    return %c0_i32, %c0_i32_0 : i32, i32
  }
  func.func @transform_3(%arg0: i32) -> (i32, i32) {
    %c0_i32 = arith.constant 0 : i32
    %c0_i32_0 = arith.constant 0 : i32
    return %arg0, %c0_i32 : i32, i32
  }
  func.func @transform_4(%arg0: i32) -> (i32, i32) {
    %c0_i32 = arith.constant 0 : i32
    %c0_i32_0 = arith.constant 0 : i32
    return %arg0, %c0_i32 : i32, i32
  }
  func.func @transform_5(%arg0: i32) -> (i32, i32) {
    %c0_i32 = arith.constant 0 : i32
    %c0_i32_0 = arith.constant 0 : i32
    return %arg0, %c0_i32 : i32, i32
  }
}

module attributes {stable_mosaic.version = 14 : i64} {
  func.func @_edge_kernel(%arg0: i32, %arg1: memref<2000x128xf32, #tpu.memory_space<vmem>>, %arg2: memref<2000x128xf32, #tpu.memory_space<vmem>>, %arg3: memref<2000x256xf32, #tpu.memory_space<vmem>>, %arg4: memref<128x256xf32, #tpu.memory_space<vmem>>, %arg5: memref<128x8xf32, #tpu.memory_space<vmem>>, %arg6: memref<8x128xf32, #tpu.memory_space<vmem>>, %arg7: memref<2000x128xf32, #tpu.memory_space<vmem>>, %arg8: memref<2000x16xf32, #tpu.memory_space<vmem>>) attributes {dimension_semantics = [#tpu.dimension_semantics<arbitrary>], iteration_bounds = array<i64: 160>, scalar_prefetch = 0 : i64, scratch_operands = 0 : i64, tpu.core_type = #tpu.core_type<tc>, window_params = [{transform_indices = @transform_0, window_bounds = array<i64: 2000, 128>}, {transform_indices = @transform_1, window_bounds = array<i64: 2000, 128>}, {transform_indices = @transform_2, window_bounds = array<i64: 2000, 256>}, {pipeline_mode = #tpu.pipeline_mode<synchronous>, transform_indices = @transform_3, window_bounds = array<i64: 128, 256>}, {pipeline_mode = #tpu.pipeline_mode<synchronous>, transform_indices = @transform_4, window_bounds = array<i64: 128, 8>}, {pipeline_mode = #tpu.pipeline_mode<synchronous>, transform_indices = @transform_5, window_bounds = array<i64: 8, 128>}, {transform_indices = @transform_6, window_bounds = array<i64: 2000, 128>}, {transform_indices = @transform_7, window_bounds = array<i64: 2000, 16>}]} {
    %get3A = arith.constant 0 : index
    %get3A_0 = arith.constant 0 : index
    %get3A_1 = vector.load %arg1[%get3A, %get3A_0] : memref<2000x128xf32, #tpu.memory_space<vmem>>, vector<2000x128xf32>
    %get3A_2 = arith.constant 0 : index
    %get3A_3 = arith.constant 0 : index
    %get3A_4 = vector.load %arg4[%get3A_2, %get3A_3] : memref<128x256xf32, #tpu.memory_space<vmem>>, vector<128x256xf32>
    %dot_general3A = arith.constant dense<0.000000e+00> : vector<2000x256xf32>
    %dot_general3A_5 = tpu.matmul %get3A_1, %get3A_4, %dot_general3A {dimension_numbers = #tpu.dot_dimension_numbers<[1], [0], [0], [1], [0, 0, 1, 1], [], []>, transpose_lhs_hint = false} : vector<2000x128xf32>, vector<128x256xf32>, vector<2000x256xf32> -> vector<2000x256xf32>
    %get3A_6 = arith.constant 0 : index
    %get3A_7 = arith.constant 0 : index
    %get3A_8 = vector.load %arg3[%get3A_6, %get3A_7] : memref<2000x256xf32, #tpu.memory_space<vmem>>, vector<2000x128xf32>
    %slice3A = vector.extract_strided_slice %dot_general3A_5 {offsets = [0, 0], sizes = [2000, 128], strides = [1, 1]} : vector<2000x256xf32> to vector<2000x128xf32>
    %add3A = arith.addf %get3A_8, %slice3A : vector<2000x128xf32>
    %get3A_9 = arith.constant 0 : index
    %get3A_10 = arith.constant 128 : index
    %get3A_11 = vector.load %arg3[%get3A_9, %get3A_10] : memref<2000x256xf32, #tpu.memory_space<vmem>>, vector<2000x128xf32>
    %slice3A_12 = vector.extract_strided_slice %dot_general3A_5 {offsets = [0, 128], sizes = [2000, 128], strides = [1, 1]} : vector<2000x256xf32> to vector<2000x128xf32>
    %add3A_13 = arith.addf %get3A_11, %slice3A_12 : vector<2000x128xf32>
    %get3A_14 = arith.constant 0 : index
    %get3A_15 = arith.constant 0 : index
    %get3A_16 = vector.load %arg2[%get3A_14, %get3A_15] : memref<2000x128xf32, #tpu.memory_space<vmem>>, vector<2000x128xf32>
    %mul3A = arith.mulf %get3A_16, %add3A : vector<2000x128xf32>
    %get3A_17 = arith.constant 0 : index
    %get3A_18 = arith.constant 0 : index
    %get3A_19 = vector.load %arg5[%get3A_17, %get3A_18] : memref<128x8xf32, #tpu.memory_space<vmem>>, vector<128x8xf32>
    %dot_general3A_20 = arith.constant dense<0.000000e+00> : vector<2000x8xf32>
    %dot_general3A_21 = tpu.matmul %mul3A, %get3A_19, %dot_general3A_20 {dimension_numbers = #tpu.dot_dimension_numbers<[1], [0], [0], [1], [0, 0, 1, 1], [], []>, transpose_lhs_hint = false} : vector<2000x128xf32>, vector<128x8xf32>, vector<2000x8xf32> -> vector<2000x8xf32>
    %exp3A = math.exp %dot_general3A_21 : vector<2000x8xf32>
    %get3A_22 = arith.constant 0 : index
    %get3A_23 = arith.constant 0 : index
    %get3A_24 = vector.load %arg6[%get3A_22, %get3A_23] : memref<8x128xf32, #tpu.memory_space<vmem>>, vector<8x128xf32>
    %dot_general3A_25 = arith.constant dense<0.000000e+00> : vector<2000x128xf32>
    %dot_general3A_26 = tpu.matmul %exp3A, %get3A_24, %dot_general3A_25 {dimension_numbers = #tpu.dot_dimension_numbers<[1], [0], [0], [1], [0, 0, 1, 1], [], []>, transpose_lhs_hint = false} : vector<2000x8xf32>, vector<8x128xf32>, vector<2000x128xf32> -> vector<2000x128xf32>
    %mul3A_27 = arith.mulf %add3A_13, %dot_general3A_26 : vector<2000x128xf32>
    %swap3A = arith.constant 0 : index
    %swap3A_28 = arith.constant 0 : index
    %swap3A_29 = vector.load %arg7[%swap3A, %swap3A_28] : memref<2000x128xf32, #tpu.memory_space<vmem>>, vector<2000x128xf32>
    tpu.vector_store %arg7[%swap3A, %swap3A_28], %mul3A_27 {strides = array<i32>} : memref<2000x128xf32, #tpu.memory_space<vmem>>, vector<2000x128xf32>,
    %broadcast_in_dim3A = arith.constant 0.000000e+00 : f32
    %broadcast_in_dim3A_30 = vector.broadcast %broadcast_in_dim3A : f32 to vector<2000x8xf32>
    %concatenate3A = tpu.concatenate %exp3A, %broadcast_in_dim3A_30 in 1 : vector<2000x8xf32>, vector<2000x8xf32> -> vector<2000x16xf32>
    %swap3A_31 = arith.constant 0 : index
    %swap3A_32 = arith.constant 0 : index
    %swap3A_33 = vector.load %arg8[%swap3A_31, %swap3A_32] : memref<2000x16xf32, #tpu.memory_space<vmem>>, vector<2000x16xf32>
    tpu.vector_store %arg8[%swap3A_31, %swap3A_32], %concatenate3A {strides = array<i32>} : memref<2000x16xf32, #tpu.memory_space<vmem>>, vector<2000x16xf32>,
    return
  }
  func.func @transform_0(%arg0: i32) -> (i32, i32) {
    %c0_i32 = arith.constant 0 : i32
    %c0_i32_0 = arith.constant 0 : i32
    return %arg0, %c0_i32 : i32, i32
  }
  func.func @transform_1(%arg0: i32) -> (i32, i32) {
    %c0_i32 = arith.constant 0 : i32
    %c0_i32_0 = arith.constant 0 : i32
    return %arg0, %c0_i32 : i32, i32
  }
  func.func @transform_2(%arg0: i32) -> (i32, i32) {
    %c0_i32 = arith.constant 0 : i32
    %c0_i32_0 = arith.constant 0 : i32
    return %arg0, %c0_i32 : i32, i32
  }
  func.func @transform_3(%arg0: i32) -> (i32, i32) {
    %c0_i32 = arith.constant 0 : i32
    %c0_i32_0 = arith.constant 0 : i32
    %c0_i32_1 = arith.constant 0 : i32
    return %c0_i32, %c0_i32_0 : i32, i32
  }
  func.func @transform_4(%arg0: i32) -> (i32, i32) {
    %c0_i32 = arith.constant 0 : i32
    %c0_i32_0 = arith.constant 0 : i32
    %c0_i32_1 = arith.constant 0 : i32
    return %c0_i32, %c0_i32_0 : i32, i32
  }
  func.func @transform_5(%arg0: i32) -> (i32, i32) {
    %c0_i32 = arith.constant 0 : i32
    %c0_i32_0 = arith.constant 0 : i32
    %c0_i32_1 = arith.constant 0 : i32
    return %c0_i32, %c0_i32_0 : i32, i32
  }
  func.func @transform_6(%arg0: i32) -> (i32, i32) {
    %c0_i32 = arith.constant 0 : i32
    %c0_i32_0 = arith.constant 0 : i32
    return %arg0, %c0_i32 : i32, i32
  }
  func.func @transform_7(%arg0: i32) -> (i32, i32) {
    %c0_i32 = arith.constant 0 : i32
    %c0_i32_0 = arith.constant 0 : i32
    return %arg0, %c0_i32 : i32, i32
  }
}

module attributes {stable_mosaic.version = 14 : i64} {
  func.func @_final_kernel(%arg0: i32, %arg1: memref<2x640x128xf32, #tpu.memory_space<vmem>>, %arg2: memref<1x2x16x640x8xf32, #tpu.memory_space<vmem>>, %arg3: memref<640x128xf32, #tpu.memory_space<vmem>>, %arg4: memref<8x128xf32, #tpu.memory_space<vmem>>, %arg5: memref<128x256xf32, #tpu.memory_space<vmem>>, %arg6: memref<1x256xf32, #tpu.memory_space<vmem>>, %arg7: memref<256x128xf32, #tpu.memory_space<vmem>>, %arg8: memref<1x128xf32, #tpu.memory_space<vmem>>, %arg9: memref<1x128xf32, #tpu.memory_space<vmem>>, %arg10: memref<1x128xf32, #tpu.memory_space<vmem>>, %arg11: memref<1x128xf32, #tpu.memory_space<vmem>>, %arg12: memref<1x128xf32, #tpu.memory_space<vmem>>, %arg13: memref<640x128xf32, #tpu.memory_space<vmem>>) attributes {dimension_semantics = [#tpu.dimension_semantics<arbitrary>], iteration_bounds = array<i64: 16>, scalar_prefetch = 0 : i64, scratch_operands = 0 : i64, tpu.core_type = #tpu.core_type<tc>, window_params = [{transform_indices = @transform_0, window_bounds = array<i64: 2, 640, 128>}, {transform_indices = @transform_1, window_bounds = array<i64: 1, 2, 16, 640, 8>}, {transform_indices = @transform_2, window_bounds = array<i64: 640, 128>}, {pipeline_mode = #tpu.pipeline_mode<synchronous>, transform_indices = @transform_3, window_bounds = array<i64: 8, 128>}, {pipeline_mode = #tpu.pipeline_mode<synchronous>, transform_indices = @transform_4, window_bounds = array<i64: 128, 256>}, {pipeline_mode = #tpu.pipeline_mode<synchronous>, transform_indices = @transform_5, window_bounds = array<i64: 1, 256>}, {pipeline_mode = #tpu.pipeline_mode<synchronous>, transform_indices = @transform_6, window_bounds = array<i64: 256, 128>}, {pipeline_mode = #tpu.pipeline_mode<synchronous>, transform_indices = @transform_7, window_bounds = array<i64: 1, 128>}, {pipeline_mode = #tpu.pipeline_mode<synchronous>, transform_indices = @transform_8, window_bounds = array<i64: 1, 128>}, {pipeline_mode = #tpu.pipeline_mode<synchronous>, transform_indices = @transform_9, window_bounds = array<i64: 1, 128>}, {pipeline_mode = #tpu.pipeline_mode<synchronous>, transform_indices = @transform_10, window_bounds = array<i64: 1, 128>}, {pipeline_mode = #tpu.pipeline_mode<synchronous>, transform_indices = @transform_11, window_bounds = array<i64: 1, 128>}, {transform_indices = @transform_12, window_bounds = array<i64: 640, 128>}]} {
    %get3A = arith.constant 0 : index
    %get3A_0 = arith.constant 0 : index
    %get3A_1 = arith.constant 0 : index
    %get3A_2 = vector.load %arg1[%get3A, %get3A_0, %get3A_1] : memref<2x640x128xf32, #tpu.memory_space<vmem>>, vector<1x640x128xf32>
    %get3A_3 = vector.shape_cast %get3A_2 : vector<1x640x128xf32> to vector<640x128xf32>
    %get3A_4 = arith.constant 1 : index
    %get3A_5 = arith.constant 0 : index
    %get3A_6 = arith.constant 0 : index
    %get3A_7 = vector.load %arg1[%get3A_4, %get3A_5, %get3A_6] : memref<2x640x128xf32, #tpu.memory_space<vmem>>, vector<1x640x128xf32>
    %get3A_8 = vector.shape_cast %get3A_7 : vector<1x640x128xf32> to vector<640x128xf32>
    %add3A = arith.addf %get3A_3, %get3A_8 : vector<640x128xf32>
    %get3A_9 = arith.constant 0 : index
    %get3A_10 = arith.constant 0 : index
    %get3A_11 = arith.constant 0 : index
    %get3A_12 = arith.constant 0 : index
    %get3A_13 = arith.constant 0 : index
    %get3A_14 = vector.load %arg2[%get3A_9, %get3A_10, %get3A_11, %get3A_12, %get3A_13] : memref<1x2x16x640x8xf32, #tpu.memory_space<vmem>>, vector<1x1x16x640x8xf32>
    %get3A_15 = vector.shape_cast %get3A_14 : vector<1x1x16x640x8xf32> to vector<16x640x8xf32>
    %reduce_sum3A = arith.constant dense<0.000000e+00> : vector<640x8xf32>
    %reduce_sum3A_16 = vector.multi_reduction <add>, %get3A_15, %reduce_sum3A [0] : vector<16x640x8xf32> to vector<640x8xf32>
    %get3A_17 = arith.constant 0 : index
    %get3A_18 = arith.constant 1 : index
    %get3A_19 = arith.constant 0 : index
    %get3A_20 = arith.constant 0 : index
    %get3A_21 = arith.constant 0 : index
    %get3A_22 = vector.load %arg2[%get3A_17, %get3A_18, %get3A_19, %get3A_20, %get3A_21] : memref<1x2x16x640x8xf32, #tpu.memory_space<vmem>>, vector<1x1x16x640x8xf32>
    %get3A_23 = vector.shape_cast %get3A_22 : vector<1x1x16x640x8xf32> to vector<16x640x8xf32>
    %reduce_sum3A_24 = arith.constant dense<0.000000e+00> : vector<640x8xf32>
    %reduce_sum3A_25 = vector.multi_reduction <add>, %get3A_23, %reduce_sum3A_24 [0] : vector<16x640x8xf32> to vector<640x8xf32>
    %add3A_26 = arith.addf %reduce_sum3A_16, %reduce_sum3A_25 : vector<640x8xf32>
    %get3A_27 = arith.constant 0 : index
    %get3A_28 = arith.constant 0 : index
    %get3A_29 = vector.load %arg4[%get3A_27, %get3A_28] : memref<8x128xf32, #tpu.memory_space<vmem>>, vector<8x128xf32>
    %dot_general3A = arith.constant dense<0.000000e+00> : vector<640x128xf32>
    %dot_general3A_30 = tpu.matmul %add3A_26, %get3A_29, %dot_general3A {dimension_numbers = #tpu.dot_dimension_numbers<[1], [0], [0], [1], [0, 0, 1, 1], [], []>, transpose_lhs_hint = false} : vector<640x8xf32>, vector<8x128xf32>, vector<640x128xf32> -> vector<640x128xf32>
    %add3A_31 = arith.constant 1.000000e-16 : f32
    %add3A_32 = vector.broadcast %add3A_31 : f32 to vector<640x128xf32>
    %add3A_33 = arith.addf %dot_general3A_30, %add3A_32 : vector<640x128xf32>
    %div3A = arith.divf %add3A, %add3A_33 : vector<640x128xf32>
    %get3A_34 = arith.constant 0 : index
    %get3A_35 = arith.constant 0 : index
    %get3A_36 = vector.load %arg3[%get3A_34, %get3A_35] : memref<640x128xf32, #tpu.memory_space<vmem>>, vector<640x128xf32>
    %add3A_37 = arith.addf %div3A, %get3A_36 : vector<640x128xf32>
    %reduce_sum3A_38 = arith.constant dense<0.000000e+00> : vector<640xf32>
    %reduce_sum3A_39 = vector.multi_reduction <add>, %add3A_37, %reduce_sum3A_38 [1] : vector<640x128xf32> to vector<640xf32>
    %broadcast_in_dim3A = vector.shape_cast %reduce_sum3A_39 : vector<640xf32> to vector<640x1xf32>
    %div3A_40 = arith.constant 1.280000e+02 : f32
    %div3A_41 = vector.broadcast %div3A_40 : f32 to vector<640x1xf32>
    %div3A_42 = arith.divf %broadcast_in_dim3A, %div3A_41 : vector<640x1xf32>
    %sub3A = vector.broadcast %div3A_42 : vector<640x1xf32> to vector<640x128xf32>
    %sub3A_43 = arith.subf %add3A_37, %sub3A : vector<640x128xf32>
    %integer_pow3A = arith.mulf %sub3A_43, %sub3A_43 : vector<640x128xf32>
    %reduce_sum3A_44 = arith.constant dense<0.000000e+00> : vector<640xf32>
    %reduce_sum3A_45 = vector.multi_reduction <add>, %integer_pow3A, %reduce_sum3A_44 [1] : vector<640x128xf32> to vector<640xf32>
    %broadcast_in_dim3A_46 = vector.shape_cast %reduce_sum3A_45 : vector<640xf32> to vector<640x1xf32>
    %div3A_47 = arith.constant 1.280000e+02 : f32
    %div3A_48 = vector.broadcast %div3A_47 : f32 to vector<640x1xf32>
    %div3A_49 = arith.divf %broadcast_in_dim3A_46, %div3A_48 : vector<640x1xf32>
    %sub3A_50 = vector.broadcast %div3A_42 : vector<640x1xf32> to vector<640x128xf32>
    %sub3A_51 = arith.subf %add3A_37, %sub3A_50 : vector<640x128xf32>
    %add3A_52 = arith.constant 9.99999974E-6 : f32
    %add3A_53 = vector.broadcast %add3A_52 : f32 to vector<640x1xf32>
    %add3A_54 = arith.addf %div3A_49, %add3A_53 : vector<640x1xf32>
    %rsqrt3A = math.rsqrt %add3A_54 : vector<640x1xf32>
    %mul3A = vector.broadcast %rsqrt3A : vector<640x1xf32> to vector<640x128xf32>
    %mul3A_55 = arith.mulf %sub3A_51, %mul3A : vector<640x128xf32>
    %get3A_56 = arith.constant 0 : index
    %get3A_57 = arith.constant 0 : index
    %get3A_58 = vector.load %arg9[%get3A_56, %get3A_57] : memref<1x128xf32, #tpu.memory_space<vmem>>, vector<1x128xf32>
    %mul3A_59 = vector.broadcast %get3A_58 : vector<1x128xf32> to vector<640x128xf32>
    %mul3A_60 = arith.mulf %mul3A_55, %mul3A_59 : vector<640x128xf32>
    %get3A_61 = arith.constant 0 : index
    %get3A_62 = arith.constant 0 : index
    %get3A_63 = vector.load %arg10[%get3A_61, %get3A_62] : memref<1x128xf32, #tpu.memory_space<vmem>>, vector<1x128xf32>
    %add3A_64 = vector.broadcast %get3A_63 : vector<1x128xf32> to vector<640x128xf32>
    %add3A_65 = arith.addf %mul3A_60, %add3A_64 : vector<640x128xf32>
    %get3A_66 = arith.constant 0 : index
    %get3A_67 = arith.constant 0 : index
    %get3A_68 = vector.load %arg5[%get3A_66, %get3A_67] : memref<128x256xf32, #tpu.memory_space<vmem>>, vector<128x256xf32>
    %dot_general3A_69 = arith.constant dense<0.000000e+00> : vector<640x256xf32>
    %dot_general3A_70 = tpu.matmul %add3A_65, %get3A_68, %dot_general3A_69 {dimension_numbers = #tpu.dot_dimension_numbers<[1], [0], [0], [1], [0, 0, 1, 1], [], []>, transpose_lhs_hint = false} : vector<640x128xf32>, vector<128x256xf32>, vector<640x256xf32> -> vector<640x256xf32>
    %get3A_71 = arith.constant 0 : index
    %get3A_72 = arith.constant 0 : index
    %get3A_73 = vector.load %arg6[%get3A_71, %get3A_72] : memref<1x256xf32, #tpu.memory_space<vmem>>, vector<1x256xf32>
    %add3A_74 = vector.broadcast %get3A_73 : vector<1x256xf32> to vector<640x256xf32>
    %add3A_75 = arith.addf %dot_general3A_70, %add3A_74 : vector<640x256xf32>
    %max3A = arith.constant 0.000000e+00 : f32
    %max3A_76 = vector.broadcast %max3A : f32 to vector<640x256xf32>
    %max3A_77 = arith.maximumf %add3A_75, %max3A_76 : vector<640x256xf32>
    %get3A_78 = arith.constant 0 : index
    %get3A_79 = arith.constant 0 : index
    %get3A_80 = vector.load %arg7[%get3A_78, %get3A_79] : memref<256x128xf32, #tpu.memory_space<vmem>>, vector<256x128xf32>
    %dot_general3A_81 = arith.constant dense<0.000000e+00> : vector<640x128xf32>
    %dot_general3A_82 = tpu.matmul %max3A_77, %get3A_80, %dot_general3A_81 {dimension_numbers = #tpu.dot_dimension_numbers<[1], [0], [0], [1], [0, 0, 1, 1], [], []>, transpose_lhs_hint = false} : vector<640x256xf32>, vector<256x128xf32>, vector<640x128xf32> -> vector<640x128xf32>
    %get3A_83 = arith.constant 0 : index
    %get3A_84 = arith.constant 0 : index
    %get3A_85 = vector.load %arg8[%get3A_83, %get3A_84] : memref<1x128xf32, #tpu.memory_space<vmem>>, vector<1x128xf32>
    %add3A_86 = vector.broadcast %get3A_85 : vector<1x128xf32> to vector<640x128xf32>
    %add3A_87 = arith.addf %dot_general3A_82, %add3A_86 : vector<640x128xf32>
    %add3A_88 = arith.addf %add3A_65, %add3A_87 : vector<640x128xf32>
    %reduce_sum3A_89 = arith.constant dense<0.000000e+00> : vector<640xf32>
    %reduce_sum3A_90 = vector.multi_reduction <add>, %add3A_88, %reduce_sum3A_89 [1] : vector<640x128xf32> to vector<640xf32>
    %broadcast_in_dim3A_91 = vector.shape_cast %reduce_sum3A_90 : vector<640xf32> to vector<640x1xf32>
    %div3A_92 = arith.constant 1.280000e+02 : f32
    %div3A_93 = vector.broadcast %div3A_92 : f32 to vector<640x1xf32>
    %div3A_94 = arith.divf %broadcast_in_dim3A_91, %div3A_93 : vector<640x1xf32>
    %sub3A_95 = vector.broadcast %div3A_94 : vector<640x1xf32> to vector<640x128xf32>
    %sub3A_96 = arith.subf %add3A_88, %sub3A_95 : vector<640x128xf32>
    %integer_pow3A_97 = arith.mulf %sub3A_96, %sub3A_96 : vector<640x128xf32>
    %reduce_sum3A_98 = arith.constant dense<0.000000e+00> : vector<640xf32>
    %reduce_sum3A_99 = vector.multi_reduction <add>, %integer_pow3A_97, %reduce_sum3A_98 [1] : vector<640x128xf32> to vector<640xf32>
    %broadcast_in_dim3A_100 = vector.shape_cast %reduce_sum3A_99 : vector<640xf32> to vector<640x1xf32>
    %div3A_101 = arith.constant 1.280000e+02 : f32
    %div3A_102 = vector.broadcast %div3A_101 : f32 to vector<640x1xf32>
    %div3A_103 = arith.divf %broadcast_in_dim3A_100, %div3A_102 : vector<640x1xf32>
    %sub3A_104 = vector.broadcast %div3A_94 : vector<640x1xf32> to vector<640x128xf32>
    %sub3A_105 = arith.subf %add3A_88, %sub3A_104 : vector<640x128xf32>
    %add3A_106 = arith.constant 9.99999974E-6 : f32
    %add3A_107 = vector.broadcast %add3A_106 : f32 to vector<640x1xf32>
    %add3A_108 = arith.addf %div3A_103, %add3A_107 : vector<640x1xf32>
    %rsqrt3A_109 = math.rsqrt %add3A_108 : vector<640x1xf32>
    %mul3A_110 = vector.broadcast %rsqrt3A_109 : vector<640x1xf32> to vector<640x128xf32>
    %mul3A_111 = arith.mulf %sub3A_105, %mul3A_110 : vector<640x128xf32>
    %get3A_112 = arith.constant 0 : index
    %get3A_113 = arith.constant 0 : index
    %get3A_114 = vector.load %arg11[%get3A_112, %get3A_113] : memref<1x128xf32, #tpu.memory_space<vmem>>, vector<1x128xf32>
    %mul3A_115 = vector.broadcast %get3A_114 : vector<1x128xf32> to vector<640x128xf32>
    %mul3A_116 = arith.mulf %mul3A_111, %mul3A_115 : vector<640x128xf32>
    %get3A_117 = arith.constant 0 : index
    %get3A_118 = arith.constant 0 : index
    %get3A_119 = vector.load %arg12[%get3A_117, %get3A_118] : memref<1x128xf32, #tpu.memory_space<vmem>>, vector<1x128xf32>
    %add3A_120 = vector.broadcast %get3A_119 : vector<1x128xf32> to vector<640x128xf32>
    %add3A_121 = arith.addf %mul3A_116, %add3A_120 : vector<640x128xf32>
    %swap3A = arith.constant 0 : index
    %swap3A_122 = arith.constant 0 : index
    %swap3A_123 = vector.load %arg13[%swap3A, %swap3A_122] : memref<640x128xf32, #tpu.memory_space<vmem>>, vector<640x128xf32>
    tpu.vector_store %arg13[%swap3A, %swap3A_122], %add3A_121 {strides = array<i32>} : memref<640x128xf32, #tpu.memory_space<vmem>>, vector<640x128xf32>,
    return
  }
  func.func @transform_0(%arg0: i32) -> (i32, i32, i32) {
    %c0_i32 = arith.constant 0 : i32
    %c0_i32_0 = arith.constant 0 : i32
    %c0_i32_1 = arith.constant 0 : i32
    return %c0_i32, %arg0, %c0_i32_0 : i32, i32, i32
  }
  func.func @transform_1(%arg0: i32) -> (i32, i32, i32, i32, i32) {
    %c0_i32 = arith.constant 0 : i32
    %c0_i32_0 = arith.constant 0 : i32
    %c0_i32_1 = arith.constant 0 : i32
    %c0_i32_2 = arith.constant 0 : i32
    %c0_i32_3 = arith.constant 0 : i32
    return %c0_i32, %c0_i32_0, %c0_i32_1, %arg0, %c0_i32_2 : i32, i32, i32, i32, i32
  }
  func.func @transform_2(%arg0: i32) -> (i32, i32) {
    %c0_i32 = arith.constant 0 : i32
    %c0_i32_0 = arith.constant 0 : i32
    return %arg0, %c0_i32 : i32, i32
  }
  func.func @transform_3(%arg0: i32) -> (i32, i32) {
    %c0_i32 = arith.constant 0 : i32
    %c0_i32_0 = arith.constant 0 : i32
    %c0_i32_1 = arith.constant 0 : i32
    return %c0_i32, %c0_i32_0 : i32, i32
  }
  func.func @transform_4(%arg0: i32) -> (i32, i32) {
    %c0_i32 = arith.constant 0 : i32
    %c0_i32_0 = arith.constant 0 : i32
    %c0_i32_1 = arith.constant 0 : i32
    return %c0_i32, %c0_i32_0 : i32, i32
  }
  func.func @transform_5(%arg0: i32) -> (i32, i32) {
    %c0_i32 = arith.constant 0 : i32
    %c0_i32_0 = arith.constant 0 : i32
    %c0_i32_1 = arith.constant 0 : i32
    return %c0_i32, %c0_i32_0 : i32, i32
  }
  func.func @transform_6(%arg0: i32) -> (i32, i32) {
    %c0_i32 = arith.constant 0 : i32
    %c0_i32_0 = arith.constant 0 : i32
    %c0_i32_1 = arith.constant 0 : i32
    return %c0_i32, %c0_i32_0 : i32, i32
  }
  func.func @transform_7(%arg0: i32) -> (i32, i32) {
    %c0_i32 = arith.constant 0 : i32
    %c0_i32_0 = arith.constant 0 : i32
    %c0_i32_1 = arith.constant 0 : i32
    return %c0_i32, %c0_i32_0 : i32, i32
  }
  func.func @transform_8(%arg0: i32) -> (i32, i32) {
    %c0_i32 = arith.constant 0 : i32
    %c0_i32_0 = arith.constant 0 : i32
    %c0_i32_1 = arith.constant 0 : i32
    return %c0_i32, %c0_i32_0 : i32, i32
  }
  func.func @transform_9(%arg0: i32) -> (i32, i32) {
    %c0_i32 = arith.constant 0 : i32
    %c0_i32_0 = arith.constant 0 : i32
    %c0_i32_1 = arith.constant 0 : i32
    return %c0_i32, %c0_i32_0 : i32, i32
  }
  func.func @transform_10(%arg0: i32) -> (i32, i32) {
    %c0_i32 = arith.constant 0 : i32
    %c0_i32_0 = arith.constant 0 : i32
    %c0_i32_1 = arith.constant 0 : i32
    return %c0_i32, %c0_i32_0 : i32, i32
  }
  func.func @transform_11(%arg0: i32) -> (i32, i32) {
    %c0_i32 = arith.constant 0 : i32
    %c0_i32_0 = arith.constant 0 : i32
    %c0_i32_1 = arith.constant 0 : i32
    return %c0_i32, %c0_i32_0 : i32, i32
  }
  func.func @transform_12(%arg0: i32) -> (i32, i32) {
    %c0_i32 = arith.constant 0 : i32
    %c0_i32_0 = arith.constant 0 : i32
    return %arg0, %c0_i32 : i32, i32
  }
}

</mosaic_0001>

<sc_bundles>
// kernel: kernel.11.cloned.1.call-start
scs
__scs_entry_jumppad:
0x0: {  	(pc) =	sbr.rel $0x88, $3  }
0x1: {  	(tag) =	ssettag $0x0;
	lr =	simm.s32 $0x1  }
0x2: {  	[smem:$0x3F8E] =	sst lr;
	_ =	strace $0xD0000000  }
0x3: {  	_ = 	snop  }
0x4: {  	_ = 	snop  }
0x5: {  	_ = 	snop  }
0x6: {  	_ = 	snop  }
0x7: {  	_ = 	snop  }
__scs_overlays_trampoline_lowered:
0x8: {  	[smem:$0x3F9D] =	sst s0  }
0x9: {  	[smem:$0x3F9E] =	sst s1  }
0xa: {  	[smem:$0x3F9F] =	sst s2  }
0xb: {  	[smem:$0x3FA0] =	sst s3  }
0xc: {  	[smem:$0x3FA1] =	sst s4  }
0xd: {  	[smem:$0x3FA2] =	sst s5  }
0xe: {  	[smem:$0x3FA3] =	sst s6  }
0xf: {  	[smem:$0x3FA4] =	sst s7  }
0x10: {  	[smem:$0x3FA5] =	sst s8  }
0x11: {  	[smem:$0x3FA6] =	sst s9;
	s0 =	simm.s32 @!p0 $0x0  }
0x12: {  	s1 =	sld [smem:$0x3F8C];
	s0 =	simm.s32 @p0 $0x1  }
0x13: {  	[smem:$0x3FA7] =	sst s0;
	s0 =	simm.s32 @!p1 $0x0  }
0x14: {  	s2 =	sld [smem:$0x3F8B];
	s0 =	simm.s32 @p1 $0x1  }
0x15: {  	[smem:$0x3FA8] =	sst s0;
	s0 =	simm.s32 @!p2 $0x0  }
0x16: {  	s3 =	sld [smem:$0x3FDB];
	s0 =	simm.s32 @p2 $0x1  }
0x17: {  	s4 =	simm.s32 $0x1BF5;
	[smem:$0x3FAA] =	sst s0  }
0x18: {  	s0 =	sld [smem:$0x3F8D];
	_ =	swait.ge [sflag:s4], $0x0  }
0x19: {  	s7 =	sld [smem:$0x3F8E]  }
0x1a: {  	s8 =	sadd.s32 $0xFFFFE003, lr  }
0x1b: {  	s9 =	sadd.s32 $0xFFFFFEF7, lr;
	s5 =	simm.s32 $0xFFFFFFFF;
	p2 =	slt.u32 s8, $0xFFFFF086  }
0x1c: {  	p1 =	slt.u32 s9, $0xF7A;
	s5 =	simm.s32 @!p2 $0x0  }
0x1d: {  	s5 =	simm.s32 @p1 $0x1;
	p0 =	seq.s32 s7, s2  }
0x1e: {  	s7 =	smul.u32 @!p0 $0xF7A, s2;
	p2 =	seq.s32 @!p0 s5, $0x0  }
0x1f: {  	s9 =	smul.u32 $0xF7A, s1;
	s8 =	simm.s32 @!p0 $0x1BF5;
	p2 =	por !p2, p0  }
0x20: {  	[sflag:s8] =	ssyncset.s32 @!p0 $0xFFFFF086;
	s6 =	sadd.s32 @!p0 s3, s7;
	s7 =	simm.s32 @!p0 $0x108  }
0x21: {  	s3 =	sadd.s32 s3, s9;
	s6 =	sadd.s32 @!p0 $0x88, s6;
	s7 =	simm.s32 @p2 $0x1082  }
0x22: {  	[simem:s7], [sflag:s8] =	dma.local @!p0 [hbm:s6], $0xF7A  }
0x23: {  	s9 =	sor.u32 $0xD0000000, s2;
	s6 =	simm.s32 $0x108;
	_ =	swait.ge @!p0 [sflag:s8], $0x0  }
0x24: {  	s3 =	sadd.s32 $0x88, s3;
	s6 =	simm.s32 @!p1 $0x1082;
	[sflag:s4] =	ssyncset.s32 $0xFFFFF086  }
0x25: {  	[simem:s6], [sflag:s4] =	dma.local [hbm:s3], $0xF7A  }
0x26: {  	[smem:$0x3F8E] =	sst s1;
	(tag) =	ssettag s2;
	_ =	strace s9  }
0x27: {  	s1 =	sld [smem:$0x3F9E]  }
0x28: {  	s2 =	sld [smem:$0x3F9F]  }
0x29: {  	s4 =	sld [smem:$0x3FA1]  }
0x2a: {  	p0 =	seq.s32 s5, $0x0;
	s5 =	sld [smem:$0x3FA2]  }
0x2b: {  	s6 =	sld [smem:$0x3FA3]  }
0x2c: {  	s7 =	sld [smem:$0x3FA4]  }
0x2d: {  	s3 =	simm.s32 $0x108;
	s8 =	sld [smem:$0x3FA5]  }
0x2e: {  	s3 =	simm.s32 @!p0 $0x1082;
	s9 =	sld [smem:$0x3FA6]  }
0x2f: {  	lr =	sadd.s32 s0, s3;
	s0 =	sld [smem:$0x3F9D]  }
0x30: {  	s3 =	sld [smem:$0x3FA0]  }
0x31: {  	[smem:$0x3FA9] =	sst s10  }
0x32: {  	s10 =	sld [smem:$0x3FA7];
	_ =	sdelay $0x3  }
0x33: {  	p0 =	seq.s32 s10, $0x1;
	s10 =	sld [smem:$0x3FA9];
	_ =	sdelay $0x3  }
0x34: {  	[smem:$0x3FA9] =	sst s10  }
0x35: {  	s10 =	sld [smem:$0x3FA8];
	_ =	sdelay $0x3  }
0x36: {  	p1 =	seq.s32 s10, $0x1;
	s10 =	sld [smem:$0x3FA9];
	_ =	sdelay $0x3  }
0x37: {  	[smem:$0x3FA9] =	sst s10  }
0x38: {  	s10 =	sld [smem:$0x3FAA]  }
0x39: {  	_ = 	snop;
	(pc) =	sbr.ind lr, $3  }
0x3a: {  	_ = 	snop  }
0x3b: {  	_ = 	snop  }
0x3c: {  	p2 =	seq.s32 s10, $0x1;
	s10 =	sld [smem:$0x3FA9]  }
0x3d: {  	_ =	shalt  }
0x3e: {  	_ =	shalt  }
0x3f: {  	_ =	shalt  }
0x40: {  	_ =	shalt  }
0x41: {  	_ =	shalt  }
0x42: {  	_ =	shalt  }
0x43: {  	_ =	shalt  }
0x44: {  	_ =	shalt  }
0x45: {  	_ =	shalt  }
0x46: {  	_ =	shalt  }
0x47: {  	_ =	shalt  }
0x48: {  	_ =	shalt  }
0x49: {  	_ =	shalt  }
0x4a: {  	_ =	shalt  }
0x4b: {  	_ =	shalt  }
0x4c: {  	_ =	shalt  }
0x4d: {  	_ =	shalt  }
0x4e: {  	_ =	shalt  }
0x4f: {  	_ =	shalt  }
0x50: {  	_ =	shalt  }
0x51: {  	_ =	shalt  }
0x52: {  	_ =	shalt  }
0x53: {  	_ =	shalt  }
0x54: {  	_ =	shalt  }
0x55: {  	_ =	shalt  }
0x56: {  	_ =	shalt  }
0x57: {  	_ =	shalt  }
0x58: {  	_ =	shalt  }
0x59: {  	_ =	shalt  }
0x5a: {  	_ =	shalt  }
0x5b: {  	_ =	shalt  }
0x5c: {  	_ =	shalt  }
0x5d: {  	_ =	shalt  }
0x5e: {  	_ =	shalt  }
0x5f: {  	_ =	shalt  }
0x60: {  	_ =	shalt  }
0x61: {  	_ =	shalt  }
0x62: {  	_ =	shalt  }
0x63: {  	_ =	shalt  }
0x64: {  	_ =	shalt  }
0x65: {  	_ =	shalt  }
0x66: {  	_ =	shalt  }
0x67: {  	_ =	shalt  }
0x68: {  	_ =	shalt  }
0x69: {  	_ =	shalt  }
0x6a: {  	_ =	shalt  }
0x6b: {  	_ =	shalt  }
0x6c: {  	_ =	shalt  }
0x6d: {  	_ =	shalt  }
0x6e: {  	_ =	shalt  }
0x6f: {  	_ =	shalt  }
0x70: {  	_ =	shalt  }
0x71: {  	_ =	shalt  }
0x72: {  	_ =	shalt  }
0x73: {  	_ =	shalt  }
0x74: {  	_ =	shalt  }
0x75: {  	_ =	shalt  }
0x76: {  	_ =	shalt  }
0x77: {  	_ =	shalt  }
0x78: {  	_ =	shalt  }
0x79: {  	_ =	shalt  }
0x7a: {  	_ =	shalt  }
0x7b: {  	_ =	shalt  }
0x7c: {  	_ =	shalt  }
0x7d: {  	_ =	shalt  }
0x7e: {  	_ =	shalt  }
0x7f: {  	_ =	shalt  }
0x80: {  	_ =	shalt  }
0x81: {  	_ =	shalt  }
0x82: {  	_ =	shalt  }
0x83: {  	_ =	shalt  }
0x84: {  	_ =	shalt  }
0x85: {  	_ =	shalt  }
0x86: {  	_ =	shalt  }
0x87: {  	_ =	shalt  }
.Lfunc_end0:
.L_simem_size_0:
called_computation.1_lowered:
.L_overlay_start_0:
0x88: {  	s2 =	sld [smem:$0x3FD9]  }
0x89: {  	s3 =	sld [smem:$0x3FFE];
	_ =	sdelay $0x1  }
0x8a: {  	s1 =	srdreg.scid  }
0x8b: {  	s0 =	sand.u32 $0x1, s1  }
0x8c: {  	s17 =	sshll.u32 s0, $0xA;
	s2 =	sadd.s32 s3, s2  }
0x8d: {  	s2 =	sadd.s32 s2, s17  }
0x8e: {  	[smem:$0x3FB5] =	sst s2  }
0x8f: {  	_ = 	snop  }
0x90: {  	(tm) =	ssettm $0x1  }
0x91: {  	s18 =	sld [smem:$0x3FFB];
	_ =	sdelay $0x3  }
0x92: {  	_ =	strace s18  }
0x93: {  	s2 =	sld [smem:$0x3FFC];
	_ =	sdelay $0x3  }
0x94: {  	_ =	strace s2  }
0x95: {  	s2 =	sld [smem:$0x3FFD];
	_ =	sdelay $0x3  }
0x96: {  	_ =	strace s2  }
0x97: {  	_ =	strace $0x8FFFFFFF  }
0x98: {  	s19 =	sld [smem:$0x3FDB];
	_ =	sdelay $0x1  }
0x99: {  	s20 =	simm.s32 $_scs_section_size  }
0x9a: {  	s4 =	simm.s32 $_size__tile_overlayer_lowered;
	s5 =	simm.s32 $_tile_overlayer_lowered  }
0x9b: {  	s6 =	simm.s32 $0x1BFF;
	s21 =	sshll.u32 s5, $0x1;
	s3 =	sadd.s32 s20, s19  }
0x9c: {  	s22 =	simm.s32 $0x0;
	s4 =	sshll.u32 s4, $0x1;
	s5 =	sadd.s32 s21, s3  }
0x9d: {  	[timem:s22], [sflag:s6] =	dma.local [hbm:s5], s4  }
0x9e: {  	_ =	swait.ge [sflag:s6], s4  }
0x9f: {  	s4 =	ssub.s32 $0x0, s4;
	[sflag:s6] =	ssyncset.done $0x0  }
0xa0: {  	[sflag:s6] =	ssyncadd.s32 s4;
	_ =	sdelay $0x1  }
0xa1: {  	s23 =	simm.s32 $0x1B8B  }
0xa2: {  	_ =	swait.ge [sflag:s23], $0x1  }
0xa3: {  	[sflag:s23] =	ssyncset.done $0x0  }
0xa4: {  	[sflag:s23] =	ssyncadd.s32 $0xFFFFFFFF  }
0xa5: {  	s4 =	sld [smem:$0x0]  }
0xa6: {  	s5 =	sand.u32 $0xFFFFFFFE, s1  }
0xa7: {  	p0 =	sne.s32 s1, s5  }
0xa8: {  	s5 =	sshll.u32 @p0 s5, $0xE  }
0xa9: {  	s5 =	sadd.s32 @p0 $0x11B8D, s5;
	s6 =	sshll.u32 @p0 s4, $0x11  }
0xaa: {  	s5 =	sor.u32 @p0 s6, s5  }
0xab: {  	[sflag:s5] =	ssyncadd.remote.s32 @p0 $0x1;
	_ =	sdelay $0x1  }
0xac: {  	s5 =	simm.s32 @p0 $0x1B8D  }
0xad: {  	_ =	swait.eq @p0 [sflag:s5], $0x1  }
0xae: {  	[sflag:s5] =	ssyncadd.s32 @p0 $0xFFFFFFFF  }
0xaf: {  	s6 =	sshll.u32 @!p0 s1, $0xE  }
0xb0: {  	s6 =	sor.u32 @!p0 $0x4000, s6;
	s5 =	simm.s32 @!p0 $0x1B8D  }
0xb1: {  	s4 =	sshll.u32 @!p0 s4, $0x11;
	s6 =	sadd.s32 @!p0 $0x11B8D, s6;
	_ =	swait.eq @!p0 [sflag:s5], $0x1  }
0xb2: {  	s4 =	sor.u32 @!p0 s4, s6;
	[sflag:s5] =	ssyncadd.s32 @!p0 $0xFFFFFFFF  }
0xb3: {  	s25 =	simm.s32 $0x1B8E;
	s24 =	sld [smem:$0x3FFE];
	[sflag:s4] =	ssyncadd.remote.s32 @!p0 $0x1  }
0xb4: {  	s26 =	simm.s32 $execute0_lowered;
	[smem:$0x3FD2] =	sst s25  }
0xb5: {  	s5 =	sshll.u32 s26, $0x1;
	_ =	strace $0x8000004C;
	[dreg:$0x1] =	wrdreg $0xFFFFFFFF  }
0xb6: {  	s28 =	simm.s32 $_size_execute0_lowered;
	s3 =	sadd.s32 s3, s5;
	[dreg:$0x0] =	wrdreg $0x0  }
0xb7: {  	s5 =	sshll.u32 s28, $0x1;
	[dreg:$0x2] =	wrdreg s3  }
0xb8: {  	[dreg:$0x3] =	wrdreg s5  }
0xb9: {  	[dreg:$0x4] =	wrdreg $0xC0  }
0xba: {  	_ =	task [dreg:s22], $0x5FFFF  }
0xbb: {  	[dreg:$0x1] =	wrdreg $0xFFFFFFFF  }
0xbc: {  	[dreg:$0x0] =	wrdreg $0x60  }
0xbd: {  	[dreg:$0x2] =	wrdreg s24  }
0xbe: {  	[dreg:$0x3] =	wrdreg $0x40800  }
0xbf: {  	[dreg:$0x4] =	wrdreg $0x9  }
0xc0: {  	_ =	task.clear_ibuf [dreg:s22], $0x5FFFF;
	_ =	strace $0x9000004C  }
0xc1: {  	s29 =	simm.s32 $0x9;
	_ =	strace $0x8000004E  }
0xc2: {  	_ =	swait.ge [sflag:s29], $0x1  }
0xc3: {  	[sflag:s29] =	ssyncadd.s32 $0xFFFFFFFF  }
0xc4: {  	_ =	strace $0x9000004E  }
0xc5: {  	_ =	sfence  }
0xc6: {  	s30 =	sld [smem:$0x0];
	_ =	sdelay $0x2  }
0xc7: {  	s31 =	sshll.u32 s1, $0xD;
	s1 =	sshrl.u32 s1, $0x2  }
0xc8: {  	s4 =	sand.u32 $0x4000, s31;
	s1 =	sadd.s32 s1, s30  }
0xc9: {  	s0 =	sor.u32 s4, s0;
	s1 =	sshll.u32 s1, $0x11  }
0xca: {  	s0 =	sor.u32 s1, s0  }
0xcb: {  	s0 =	sadd.s32 $0x8F2B, s0  }
0xcc: {  	[sflag:s0] =	ssyncadd.remote.s32 $0x1  }
0xcd: {  	_ =	sfence.sel $0xFFFF  }
0xce: {  	[dreg:$0x0] =	wrdreg $0xFFFFFFFF;
	(pc) =	sbr.abs _section_cstart, $3  }
0xcf: {  	[dreg:$0x1] =	wrdreg $0xFFFFFFFF  }
0xd0: {  	_ =	task.clear_ibuf [dreg:s22], $0x2FFFF;
	_ =	strace $0x9FFFFFFF  }
0xd1: {  	(tm) =	ssettm $0x7FFFFFFF  }
tec
execute0_lowered:
.L_overlay_start_1:
0x0: {  	(tag) =	ssettag $0x1  }
0x1: {  	s4 =	rddreg [dreg:$0x0]  }
0x2: {  	s2 =	rddreg [dreg:$0x1]  }
0x3: {  	s0 =	rddreg [dreg:$0x2];
	s3 =	simm.s32 $0x0;
	s1 =	stileid.u32  }
0x4: {  	s5 =	srdreg.scid;
	[smem:$0x7FF] =	sst s3  }
0x5: {  	s6 =	smul.u32 $0x14000, s1;
	s8 =	sand.u32 $0x1, s5;
	s23 =	sshll.u32 s1, $0xC  }
0x6: {  	s7 =	sshll.u32 s1, $0x5;
	s26 =	smul.u32 $0x50000, s1;
	s29 =	sshll.u32 s1, $0x6  }
0x7: {  	_ =	strace $0x8000004D;
	s9 =	smul.u32 $0x140000, s8;
	s10 =	sadd.s32 s23, s4  }
0x8: {  	s11 =	sadd.s32 s7, s4;
	s25 =	ssub.s32 $0x2, s8;
	s30 =	sshll.u32 s8, $0xB  }
0x9: {  	s31 =	sshll.u32 s8, $0x4;
	s24 =	sshrl.u32 s6, $0x3;
	s12 =	sshrl.u32 s25, $0x1  }
0xa: {  	s28 =	sshrl.u32 s26, $0x2;
	s6 =	sadd.s32 s6, s9;
	s5 =	sadd.s32 s24, s4  }
0xb: {  	s12 =	ssub.s32 s25, s12;
	s14 =	sadd.s32 s28, s2;
	s9 =	sadd.s32 s30, s10  }
0xc: {  	s10 =	sadd.s32 s31, s11;
	s6 =	sshrl.u32 s6, $0x3;
	s5 =	sadd.s32 $0x17C00, s5  }
0xd: {  	s8 =	smax.u32 s12, $0x1;
	s9 =	sadd.s32 $0x1415200, s9;
	s10 =	sadd.s32 $0xDE00, s10  }
0xe: {  	s11 =	sshrl.u32 s14, $0x3;
	s12 =	simm.s32 $0x1;
	s13 =	sadd.s32 s6, s4  }
0xf: {  	s4 =	sshll.u32 s1, $0x1;
	s6 =	sor.u32 $0x1C01, s29;
	s7 =	sadd.s32 $0xDD000, s13  }
.LBB2_1:
0x10: {  	[spmem:s11], [sflag:s6] =	dma.local [hbm:s5], $0x2800  }
0x11: {  	_ =	swait.ge [sflag:s12], $0x2800  }
0x12: {  	s13 =	sadd.s32 $0x0, s4;
	[sflag:s12] =	ssyncset.done $0x0  }
0x13: {  	p0 =	sgt.u32 s13, $0x9C3;
	[sflag:s12] =	ssyncadd.s32 $0xFFFFD800  }
0x14: {  	s13 =	simm.s32 @!p0 $0x0;
	s15 =	simm.s32 @!p0 $0x2;
	[bflag:$0x0] =	sbarrier.arrive $0xFFFF  }
0x15: {  	[tilespmem:s13], [sflag:$0x2] =	stream.linear.gather @!p0 [hbm4b:s10+s13], $0x80, $0x38;
	[tilespmem:$0x18080] =	vst v63  }
0x16: {  	_ =	swait.ge @!p0 [sflag:s15], $0x80  }
0x17: {  	[sflag:s15] =	ssyncset.done @!p0 $0x0;
	p0 =	por p0, p0  }
0x18: {  	[sflag:s15] =	ssyncadd.s32 @!p0 $0xFFFFFF80;
	s17 =	simm.s32 @!p0 $0x80  }
0x19: {  	[tilespmem:s17], [sflag:$0x2] =	stream.linear.gather @!p0 [hbm4b:s9+s13], $0x4000, $0x38;
	[tilespmem:$0x18080] =	vst v63  }
0x1a: {  	_ =	swait.ge @!p0 [sflag:s15], $0x4000  }
0x1b: {  	[sflag:s15] =	ssyncset.done @!p0 $0x0  }
0x1c: {  	s31 =	sadd.s32 $0x20, s4;
	s16 =	simm.s32 @!p0 $0x1;
	[sflag:s15] =	ssyncadd.s32 @!p0 $0xFFFFC000  }
0x1d: {  	[spmem:s2] =	stream.indirect.scatter.add.f32 @!p0 [tilespmem:s17], [sflag:$0x1], $0x80, s13, s17, $0xb8;
	[tilespmem:$0x18080] =	vst v63  }
0x1e: {  	s14 =	simm.s32 $0x40;
	p1 =	sgt.u32 s31, $0x9C3;
	_ =	swait.ge @!p0 [sflag:s16], $0x4000  }
0x1f: {  	s15 =	sadd.s32 $0x200, s10;
	s13 =	sadd.s32 $0x10000, s9;
	[sflag:s16] =	ssyncset.done @!p0 $0x0  }
.LBB2_2:
0x20: {  	s17 =	simm.s32 @!p1 $0x0;
	s18 =	simm.s32 @!p1 $0x2;
	[sflag:s16] =	ssyncadd.s32 @!p0 $0xFFFFC000  }
0x21: {  	[tilespmem:s17], [sflag:$0x2] =	stream.linear.gather @!p1 [hbm4b:s15+s17], $0x80, $0x38;
	[tilespmem:$0x18080] =	vst v63  }
0x22: {  	s19 =	smov.u32 s14;
	s14 =	sadd.s32 $0x20, s14;
	_ =	swait.ge @!p1 [sflag:s18], $0x80  }
0x23: {  	p0 =	por p1, p1;
	p2 =	sne.s32 s14, $0x9E0;
	[sflag:s18] =	ssyncset.done @!p1 $0x0  }
0x24: {  	s20 =	simm.s32 @!p0 $0x80;
	[sflag:s18] =	ssyncadd.s32 @!p0 $0xFFFFFF80  }
0x25: {  	[tilespmem:s20], [sflag:$0x2] =	stream.linear.gather @!p0 [hbm4b:s13+s17], $0x4000, $0x38;
	[tilespmem:$0x18080] =	vst v63  }
0x26: {  	_ =	swait.ge @!p0 [sflag:s18], $0x4000  }
.Ltmp0:
0x27: {  	[sflag:s18] =	ssyncset.done @!p0 $0x0;
	(pc) =	sbr.rel @p2 .LBB2_2-.Ltmp0, $4  }
0x28: {  	s16 =	simm.s32 @!p0 $0x1;
	[sflag:s18] =	ssyncadd.s32 @!p0 $0xFFFFC000  }
0x29: {  	[spmem:s2] =	stream.indirect.scatter.add.f32 @!p0 [tilespmem:s20], [sflag:$0x1], $0x80, s17, s20, $0xb8;
	[tilespmem:$0x18080] =	vst v63  }
0x2a: {  	s15 =	sadd.s32 $0x200, s15;
	s17 =	sadd.s32 s19, s4;
	_ =	swait.ge @!p0 [sflag:s16], $0x4000  }
0x2b: {  	s13 =	sadd.s32 $0x10000, s13;
	p1 =	sgt.u32 s17, $0x9C3;
	[sflag:s16] =	ssyncset.done @!p0 $0x0  }
0x2c: {  	s14 =	simm.s32 @!p1 $0x0;
	s17 =	simm.s32 @!p1 $0x2;
	[sflag:s16] =	ssyncadd.s32 @!p0 $0xFFFFC000  }
0x2d: {  	[tilespmem:s14], [sflag:$0x2] =	stream.linear.gather @!p1 [hbm4b:s15+s14], $0x80, $0x38;
	[tilespmem:$0x18080] =	vst v63  }
0x2e: {  	_ =	swait.ge @!p1 [sflag:s17], $0x80  }
0x2f: {  	p0 =	por p1, p1;
	[sflag:s17] =	ssyncset.done @!p1 $0x0  }
0x30: {  	s15 =	simm.s32 @!p0 $0x80;
	[sflag:s17] =	ssyncadd.s32 @!p0 $0xFFFFFF80  }
0x31: {  	[tilespmem:s15], [sflag:$0x2] =	stream.linear.gather @!p0 [hbm4b:s13+s14], $0x4000, $0x38;
	[tilespmem:$0x18080] =	vst v63  }
0x32: {  	_ =	swait.ge @!p0 [sflag:s17], $0x4000  }
0x33: {  	[sflag:s17] =	ssyncset.done @!p0 $0x0  }
0x34: {  	s13 =	simm.s32 @!p0 $0x1;
	[sflag:s17] =	ssyncadd.s32 @!p0 $0xFFFFC000  }
0x35: {  	[spmem:s2] =	stream.indirect.scatter.add.f32 @!p0 [tilespmem:s15], [sflag:$0x1], $0x80, s14, s15, $0xb8;
	[tilespmem:$0x18080] =	vst v63  }
0x36: {  	_ =	swait.ge @!p0 [sflag:s13], $0x4000  }
0x37: {  	s3 =	sadd.s32 $0x1, s3;
	[sflag:s13] =	ssyncset.done @!p0 $0x0  }
0x38: {  	[sflag:s13] =	ssyncadd.s32 @!p0 $0xFFFFC000;
	p0 =	sne.s32 s3, s8  }
.Ltmp1:
0x39: {  	[bflag:$0x0] =	sbarrier.arrive $0xFFFF;
	(pc) =	sbr.rel @p0 .LBB2_1-.Ltmp1, $4  }
0x3a: {  	[hbm:s7], [sflag:s6] =	dma.local [spmem:s11], $0x2800  }
0x3b: {  	_ =	swait.ge [sflag:s12], $0x2800  }
0x3c: {  	[sflag:s12] =	ssyncset.done $0x0  }
0x3d: {  	[sflag:s12] =	ssyncadd.s32 $0xFFFFD800  }
0x3e: {  	_ =	sfence.sel $0x180000  }
0x3f: {  	[bflag:$0x0] =	sbarrier.arrive $0xFFFF  }
0x40: {  	p0 =	sne.s32 s1, $0x0;
	_ =	strace $0x9000004D  }
0x41: {  	s0 =	sadd.s32 @!p0 $0x100000, s0;
	[bflag:$0x2] =	sbarrier.arrive $0xFFFF  }
0x42: {  	[sflag:s0] =	ssyncadd.tile.s32 @!p0 $0x1;
	_ =	shalt  }
.Lfunc_end2:
_tile_overlayer_lowered:
.L_overlay_start_2:
0x43: {  	(tag) =	ssettag $0x2  }
0x44: {  	s0 =	rddreg [dreg:$0x0];
	s2 =	stileid.u32  }
0x45: {  	s1 =	rddreg [dreg:$0x1];
	p0 =	sne.s32 s2, $0x0  }
0x46: {  	s3 =	rddreg [dreg:$0x2];
	[bflag:$0x3] =	sbarrier.arrive $0xFFFF;
	s2 =	simm.s32 @!p0 $0x1C01  }
0x47: {  	[timem:s3], [sflag:s2] =	dma.local @!p0 [hbm:s0], s1  }
0x48: {  	s0 =	simm.s32 @!p0 $0x1  }
0x49: {  	_ =	swait.ge @!p0 [sflag:s0], s1  }
0x4a: {  	s1 =	ssub.s32 @!p0 $0x0, s1;
	[sflag:s0] =	ssyncset.done @!p0 $0x0  }
0x4b: {  	[sflag:s0] =	ssyncadd.s32 @!p0 s1  }
0x4c: {  	[bflag:$0x3] =	sbarrier.arrive $0xFFFF  }
0x4d: {  	_ =	shalt  }

// kernel: kernel.14.cloned.1.call-start
scs
__scs_entry_jumppad:
0x0: {  	(pc) =	sbr.rel $0x88, $3  }
0x1: {  	(tag) =	ssettag $0x0;
	lr =	simm.s32 $0x1  }
0x2: {  	[smem:$0x3F8E] =	sst lr;
	_ =	strace $0xD0000000  }
0x3: {  	_ = 	snop  }
0x4: {  	_ = 	snop  }
0x5: {  	_ = 	snop  }
0x6: {  	_ = 	snop  }
0x7: {  	_ = 	snop  }
__scs_overlays_trampoline_lowered:
0x8: {  	[smem:$0x3F9D] =	sst s0  }
0x9: {  	[smem:$0x3F9E] =	sst s1  }
0xa: {  	[smem:$0x3F9F] =	sst s2  }
0xb: {  	[smem:$0x3FA0] =	sst s3  }
0xc: {  	[smem:$0x3FA1] =	sst s4  }
0xd: {  	[smem:$0x3FA2] =	sst s5  }
0xe: {  	[smem:$0x3FA3] =	sst s6  }
0xf: {  	[smem:$0x3FA4] =	sst s7  }
0x10: {  	[smem:$0x3FA5] =	sst s8  }
0x11: {  	[smem:$0x3FA6] =	sst s9;
	s0 =	simm.s32 @!p0 $0x0  }
0x12: {  	s1 =	sld [smem:$0x3F8C];
	s0 =	simm.s32 @p0 $0x1  }
0x13: {  	[smem:$0x3FA7] =	sst s0;
	s0 =	simm.s32 @!p1 $0x0  }
0x14: {  	s2 =	sld [smem:$0x3F8B];
	s0 =	simm.s32 @p1 $0x1  }
0x15: {  	[smem:$0x3FA8] =	sst s0;
	s0 =	simm.s32 @!p2 $0x0  }
0x16: {  	s3 =	sld [smem:$0x3FDB];
	s0 =	simm.s32 @p2 $0x1  }
0x17: {  	s4 =	simm.s32 $0x1BF5;
	[smem:$0x3FAA] =	sst s0  }
0x18: {  	s0 =	sld [smem:$0x3F8D];
	_ =	swait.ge [sflag:s4], $0x0  }
0x19: {  	s7 =	sld [smem:$0x3F8E]  }
0x1a: {  	s8 =	sadd.s32 $0xFFFFE003, lr  }
0x1b: {  	s9 =	sadd.s32 $0xFFFFFEF7, lr;
	s5 =	simm.s32 $0xFFFFFFFF;
	p2 =	slt.u32 s8, $0xFFFFF086  }
0x1c: {  	p1 =	slt.u32 s9, $0xF7A;
	s5 =	simm.s32 @!p2 $0x0  }
0x1d: {  	s5 =	simm.s32 @p1 $0x1;
	p0 =	seq.s32 s7, s2  }
0x1e: {  	s7 =	smul.u32 @!p0 $0xF7A, s2;
	p2 =	seq.s32 @!p0 s5, $0x0  }
0x1f: {  	s9 =	smul.u32 $0xF7A, s1;
	s8 =	simm.s32 @!p0 $0x1BF5;
	p2 =	por !p2, p0  }
0x20: {  	[sflag:s8] =	ssyncset.s32 @!p0 $0xFFFFF086;
	s6 =	sadd.s32 @!p0 s3, s7;
	s7 =	simm.s32 @!p0 $0x108  }
0x21: {  	s3 =	sadd.s32 s3, s9;
	s6 =	sadd.s32 @!p0 $0x88, s6;
	s7 =	simm.s32 @p2 $0x1082  }
0x22: {  	[simem:s7], [sflag:s8] =	dma.local @!p0 [hbm:s6], $0xF7A  }
0x23: {  	s9 =	sor.u32 $0xD0000000, s2;
	s6 =	simm.s32 $0x108;
	_ =	swait.ge @!p0 [sflag:s8], $0x0  }
0x24: {  	s3 =	sadd.s32 $0x88, s3;
	s6 =	simm.s32 @!p1 $0x1082;
	[sflag:s4] =	ssyncset.s32 $0xFFFFF086  }
0x25: {  	[simem:s6], [sflag:s4] =	dma.local [hbm:s3], $0xF7A  }
0x26: {  	[smem:$0x3F8E] =	sst s1;
	(tag) =	ssettag s2;
	_ =	strace s9  }
0x27: {  	s1 =	sld [smem:$0x3F9E]  }
0x28: {  	s2 =	sld [smem:$0x3F9F]  }
0x29: {  	s4 =	sld [smem:$0x3FA1]  }
0x2a: {  	p0 =	seq.s32 s5, $0x0;
	s5 =	sld [smem:$0x3FA2]  }
0x2b: {  	s6 =	sld [smem:$0x3FA3]  }
0x2c: {  	s7 =	sld [smem:$0x3FA4]  }
0x2d: {  	s3 =	simm.s32 $0x108;
	s8 =	sld [smem:$0x3FA5]  }
0x2e: {  	s3 =	simm.s32 @!p0 $0x1082;
	s9 =	sld [smem:$0x3FA6]  }
0x2f: {  	lr =	sadd.s32 s0, s3;
	s0 =	sld [smem:$0x3F9D]  }
0x30: {  	s3 =	sld [smem:$0x3FA0]  }
0x31: {  	[smem:$0x3FA9] =	sst s10  }
0x32: {  	s10 =	sld [smem:$0x3FA7];
	_ =	sdelay $0x3  }
0x33: {  	p0 =	seq.s32 s10, $0x1;
	s10 =	sld [smem:$0x3FA9];
	_ =	sdelay $0x3  }
0x34: {  	[smem:$0x3FA9] =	sst s10  }
0x35: {  	s10 =	sld [smem:$0x3FA8];
	_ =	sdelay $0x3  }
0x36: {  	p1 =	seq.s32 s10, $0x1;
	s10 =	sld [smem:$0x3FA9];
	_ =	sdelay $0x3  }
0x37: {  	[smem:$0x3FA9] =	sst s10  }
0x38: {  	s10 =	sld [smem:$0x3FAA]  }
0x39: {  	_ = 	snop;
	(pc) =	sbr.ind lr, $3  }
0x3a: {  	_ = 	snop  }
0x3b: {  	_ = 	snop  }
0x3c: {  	p2 =	seq.s32 s10, $0x1;
	s10 =	sld [smem:$0x3FA9]  }
0x3d: {  	_ =	shalt  }
0x3e: {  	_ =	shalt  }
0x3f: {  	_ =	shalt  }
0x40: {  	_ =	shalt  }
0x41: {  	_ =	shalt  }
0x42: {  	_ =	shalt  }
0x43: {  	_ =	shalt  }
0x44: {  	_ =	shalt  }
0x45: {  	_ =	shalt  }
0x46: {  	_ =	shalt  }
0x47: {  	_ =	shalt  }
0x48: {  	_ =	shalt  }
0x49: {  	_ =	shalt  }
0x4a: {  	_ =	shalt  }
0x4b: {  	_ =	shalt  }
0x4c: {  	_ =	shalt  }
0x4d: {  	_ =	shalt  }
0x4e: {  	_ =	shalt  }
0x4f: {  	_ =	shalt  }
0x50: {  	_ =	shalt  }
0x51: {  	_ =	shalt  }
0x52: {  	_ =	shalt  }
0x53: {  	_ =	shalt  }
0x54: {  	_ =	shalt  }
0x55: {  	_ =	shalt  }
0x56: {  	_ =	shalt  }
0x57: {  	_ =	shalt  }
0x58: {  	_ =	shalt  }
0x59: {  	_ =	shalt  }
0x5a: {  	_ =	shalt  }
0x5b: {  	_ =	shalt  }
0x5c: {  	_ =	shalt  }
0x5d: {  	_ =	shalt  }
0x5e: {  	_ =	shalt  }
0x5f: {  	_ =	shalt  }
0x60: {  	_ =	shalt  }
0x61: {  	_ =	shalt  }
0x62: {  	_ =	shalt  }
0x63: {  	_ =	shalt  }
0x64: {  	_ =	shalt  }
0x65: {  	_ =	shalt  }
0x66: {  	_ =	shalt  }
0x67: {  	_ =	shalt  }
0x68: {  	_ =	shalt  }
0x69: {  	_ =	shalt  }
0x6a: {  	_ =	shalt  }
0x6b: {  	_ =	shalt  }
0x6c: {  	_ =	shalt  }
0x6d: {  	_ =	shalt  }
0x6e: {  	_ =	shalt  }
0x6f: {  	_ =	shalt  }
0x70: {  	_ =	shalt  }
0x71: {  	_ =	shalt  }
0x72: {  	_ =	shalt  }
0x73: {  	_ =	shalt  }
0x74: {  	_ =	shalt  }
0x75: {  	_ =	shalt  }
0x76: {  	_ =	shalt  }
0x77: {  	_ =	shalt  }
0x78: {  	_ =	shalt  }
0x79: {  	_ =	shalt  }
0x7a: {  	_ =	shalt  }
0x7b: {  	_ =	shalt  }
0x7c: {  	_ =	shalt  }
0x7d: {  	_ =	shalt  }
0x7e: {  	_ =	shalt  }
0x7f: {  	_ =	shalt  }
0x80: {  	_ =	shalt  }
0x81: {  	_ =	shalt  }
0x82: {  	_ =	shalt  }
0x83: {  	_ =	shalt  }
0x84: {  	_ =	shalt  }
0x85: {  	_ =	shalt  }
0x86: {  	_ =	shalt  }
0x87: {  	_ =	shalt  }
.Lfunc_end0:
.L_simem_size_0:
called_computation.2_lowered:
.L_overlay_start_0:
0x88: {  	s2 =	sld [smem:$0x3FD9]  }
0x89: {  	s3 =	sld [smem:$0x3FFE];
	_ =	sdelay $0x1  }
0x8a: {  	s1 =	srdreg.scid  }
0x8b: {  	s0 =	sand.u32 $0x1, s1  }
0x8c: {  	s17 =	sshll.u32 s0, $0xA;
	s2 =	sadd.s32 s3, s2  }
0x8d: {  	s2 =	sadd.s32 s2, s17  }
0x8e: {  	[smem:$0x3FB5] =	sst s2  }
0x8f: {  	_ = 	snop  }
0x90: {  	s2 =	sld [smem:$0x3FD0];
	(tm) =	ssettm $0x1  }
0x91: {  	s18 =	sld [smem:$0x3FFB];
	_ =	sdelay $0x3  }
0x92: {  	_ =	strace s18  }
0x93: {  	s3 =	sld [smem:$0x3FFC];
	_ =	sdelay $0x3  }
0x94: {  	_ =	strace s3  }
0x95: {  	s3 =	sld [smem:$0x3FFD];
	_ =	sdelay $0x3  }
0x96: {  	_ =	strace s3  }
0x97: {  	_ =	strace $0x8FFFFFFF  }
0x98: {  	s19 =	sld [smem:$0x3FDB];
	_ =	sdelay $0x1  }
0x99: {  	s4 =	simm.s32 $_scs_section_size  }
0x9a: {  	s5 =	simm.s32 $_size__tile_overlayer_lowered;
	s6 =	simm.s32 $_tile_overlayer_lowered  }
0x9b: {  	s22 =	simm.s32 $0x1BFF;
	s21 =	sshll.u32 s6, $0x1;
	s3 =	sadd.s32 s4, s19  }
0x9c: {  	s7 =	simm.s32 $0x0;
	s20 =	sshll.u32 s5, $0x1;
	s5 =	sadd.s32 s21, s3  }
0x9d: {  	[timem:s7], [sflag:s22] =	dma.local [hbm:s5], s20  }
0x9e: {  	_ =	swait.ge [sflag:s22], s20  }
0x9f: {  	s4 =	ssub.s32 $0x0, s20;
	[sflag:s22] =	ssyncset.done $0x0  }
0xa0: {  	[sflag:s22] =	ssyncadd.s32 s4;
	_ =	sdelay $0x1  }
0xa1: {  	s23 =	simm.s32 $0x1B8B  }
0xa2: {  	_ =	swait.ge [sflag:s23], $0x1  }
0xa3: {  	[sflag:s23] =	ssyncset.done $0x0  }
0xa4: {  	s25 =	simm.s32 $0x1B8E;
	s24 =	sld [smem:$0x3FFE];
	[sflag:s23] =	ssyncadd.s32 $0xFFFFFFFF  }
0xa5: {  	s26 =	simm.s32 $execute0_lowered;
	[smem:$0x3FD2] =	sst s25  }
0xa6: {  	s5 =	sshll.u32 s26, $0x1;
	_ =	strace $0x80000049;
	[dreg:$0x1] =	wrdreg $0xFFFFFFFF  }
0xa7: {  	s28 =	simm.s32 $_size_execute0_lowered;
	s3 =	sadd.s32 s3, s5;
	[dreg:$0x0] =	wrdreg $0x0  }
0xa8: {  	s5 =	sshll.u32 s28, $0x1;
	[dreg:$0x2] =	wrdreg s3  }
0xa9: {  	[dreg:$0x3] =	wrdreg s5  }
0xaa: {  	[dreg:$0x4] =	wrdreg $0xC0  }
0xab: {  	_ =	task [dreg:s7], $0x5FFFF  }
0xac: {  	[dreg:$0x1] =	wrdreg $0xFFFFFFFF  }
0xad: {  	[dreg:$0x0] =	wrdreg $0x60  }
0xae: {  	[dreg:$0x2] =	wrdreg s24  }
0xaf: {  	[dreg:$0x3] =	wrdreg s2  }
0xb0: {  	[dreg:$0x4] =	wrdreg $0xA  }
0xb1: {  	_ =	task.clear_ibuf [dreg:s7], $0x5FFFF;
	_ =	strace $0x90000049  }
0xb2: {  	s29 =	simm.s32 $0xA;
	_ =	strace $0x8000004B  }
0xb3: {  	_ =	swait.ge [sflag:s29], $0x1  }
0xb4: {  	[sflag:s29] =	ssyncadd.s32 $0xFFFFFFFF  }
0xb5: {  	_ =	strace $0x9000004B  }
0xb6: {  	_ =	sfence  }
0xb7: {  	s30 =	sld [smem:$0x0];
	_ =	sdelay $0x2  }
0xb8: {  	s31 =	sshll.u32 s1, $0xD;
	s1 =	sshrl.u32 s1, $0x2  }
0xb9: {  	s3 =	sand.u32 $0x4000, s31;
	s1 =	sadd.s32 s1, s30  }
0xba: {  	s0 =	sor.u32 s3, s0;
	s1 =	sshll.u32 s1, $0x11  }
0xbb: {  	s0 =	sor.u32 s1, s0  }
0xbc: {  	s0 =	sadd.s32 $0x8F2B, s0  }
0xbd: {  	[sflag:s0] =	ssyncadd.remote.s32 $0x1  }
0xbe: {  	_ =	sfence.sel $0xFFFF  }
0xbf: {  	[dreg:$0x0] =	wrdreg $0xFFFFFFFF;
	(pc) =	sbr.abs _section_cstart, $3  }
0xc0: {  	[dreg:$0x1] =	wrdreg $0xFFFFFFFF  }
0xc1: {  	_ =	task.clear_ibuf [dreg:s7], $0x2FFFF;
	_ =	strace $0x9FFFFFFF  }
0xc2: {  	(tm) =	ssettm $0x7FFFFFFF  }
0xc3: {  	_ =	shalt  }
tec
execute0_lowered:
.L_overlay_start_1:
0x0: {  	(tag) =	ssettag $0x1  }
0x1: {  	v0 =	vlaneseq.u32  }
0x2: {  	v0 =	vmul.u32 $0x80, v0;
	_ =	sdelay $0x1  }
0x3: {  	v1 =	vor.u32 $0x1, v0;
	v4 =	vor.u32 $0x4, v0;
	v5 =	vor.u32 $0x5, v0  }
0x4: {  	v6 =	vor.u32 $0x6, v0;
	v7 =	vor.u32 $0x7, v0;
	v8 =	vor.u32 $0x800, v0  }
0x5: {  	v9 =	vor.u32 $0x801, v0;
	v10 =	vor.u32 $0x802, v0;
	v11 =	vor.u32 $0x803, v0  }
0x6: {  	v12 =	vor.u32 $0x804, v0;
	v13 =	vor.u32 $0x805, v0;
	v14 =	vor.u32 $0x806, v0  }
0x7: {  	v15 =	vor.u32 $0x807, v0;
	v16 =	vor.u32 $0x1000, v0;
	v17 =	vor.u32 $0x1001, v0  }
0x8: {  	v18 =	vor.u32 $0x1002, v0;
	v19 =	vor.u32 $0x1003, v0;
	v20 =	vor.u32 $0x1004, v0  }
0x9: {  	v21 =	vor.u32 $0x1005, v0;
	v22 =	vor.u32 $0x1006, v0;
	v23 =	vor.u32 $0x1007, v0  }
0xa: {  	s1 =	srdreg.scid;
	s4 =	rddreg [dreg:$0x0];
	v24 =	vor.u32 $0x1800, v0;
	v25 =	vor.u32 $0x1801, v0;
	v26 =	vor.u32 $0x1802, v0  }
0xb: {  	s0 =	stileid.u32;
	s2 =	rddreg [dreg:$0x1];
	v27 =	vor.u32 $0x1803, v0;
	v28 =	vor.u32 $0x1804, v0;
	v29 =	vor.u32 $0x1805, v0  }
0xc: {  	s3 =	simm.s32 $0x0;
	s11 =	simm.s32 $0x80;
	s12 =	simm.s32 $0x400;
	v30 =	vor.u32 $0x1806, v0;
	v31 =	vor.u32 $0x1807, v0;
	v32 =	vor.u32 $0x2000, v0  }
0xd: {  	s13 =	simm.s32 $0x0;
	s6 =	sand.u32 $0x1, s1;
	s1 =	rddreg [dreg:$0x2];
	v33 =	vor.u32 $0x2001, v0;
	v34 =	vor.u32 $0x2002, v0;
	v35 =	vor.u32 $0x2003, v0  }
0xe: {  	s7 =	sshrl.u32 s0, $0x3;
	[smem:$0x7FF] =	sst s3;
	s8 =	sshll.u32 s0, $0x7;
	v36 =	vor.u32 $0x2004, v0;
	v37 =	vor.u32 $0x2005, v0;
	v38 =	vor.u32 $0x2006, v0  }
0xf: {  	s9 =	sshll.u32 s0, $0xC;
	s24 =	sshll.u32 s0, $0x5;
	s5 =	smul.u32 $0x140000, s6;
	v39 =	vor.u32 $0x2007, v0;
	v40 =	vor.u32 $0x2800, v0;
	v41 =	vor.u32 $0x2801, v0  }
0x10: {  	s7 =	smul.u32 $0xA0000, s7;
	s22 =	sand.u32 $0x380, s8;
	s23 =	sadd.s32 s9, s4;
	v42 =	vor.u32 $0x2802, v0;
	v43 =	vor.u32 $0x2803, v0;
	v44 =	vor.u32 $0x2804, v0  }
0x11: {  	s25 =	ssub.s32 $0x2, s6;
	s10 =	sadd.s32 s24, s4;
	s29 =	sshll.u32 s6, $0xB;
	v45 =	vor.u32 $0x2805, v0;
	v46 =	vor.u32 $0x2806, v0;
	v47 =	vor.u32 $0x2807, v0  }
0x12: {  	s30 =	sshll.u32 s6, $0x4;
	s9 =	simm.s32 $0x4080;
	s26 =	sshrl.u32 s25, $0x1;
	v48 =	vor.u32 $0x3000, v0;
	v49 =	vor.u32 $0x3001, v0;
	v50 =	vor.u32 $0x3002, v0  }
.Ltmp0:
0x13: {  	v51 =	vor.u32 $0x3003, v0;
	s8 =	sadd.s32 s29, s23;
	v52 =	vor.u32 $0x3004, v0;
	v53 =	vor.u32 $0x3005, v0;
	s5 =	sadd.s32 s5, s7;
	(pc) =	sbr.rel .LBB2_1-.Ltmp0, $4  }
0x14: {  	v54 =	vor.u32 $0x3006, v0;
	s31 =	sadd.s32 s30, s10;
	v55 =	vor.u32 $0x3007, v0;
	s10 =	simm.s32 $0x1;
	[tilespmem:$0x1FFD0] =	vst v1;
	v1 =	vor.u32 $0x2, v0;
	s5 =	sor.u32 s22, s5  }
0x15: {  	v56 =	vor.u32 $0x3800, v0;
	v57 =	vor.u32 $0x3801, v0;
	s28 =	ssub.s32 s25, s26;
	s7 =	sadd.s32 $0xF33200, s8;
	[tilespmem:$0x1FFE0] =	vst v1;
	v1 =	vor.u32 $0x3, v0;
	s5 =	sshrl.u32 s5, $0x3  }
0x16: {  	v58 =	vor.u32 $0x3802, v0;
	v59 =	vor.u32 $0x3803, v0;
	v60 =	vor.u32 $0x3804, v0;
	s8 =	sadd.s32 $0xDE00, s31;
	s6 =	smax.u32 s28, $0x1;
	[tilespmem:$0x1FFF0] =	vst v1;
	s5 =	sadd.s32 s5, s4  }
0x17: {  	v61 =	vor.u32 $0x3805, v0;
	v62 =	vor.u32 $0x3806, v0;
	v63 =	vor.u32 $0x3807, v0;
	_ =	strace $0x8000004A;
	s4 =	sshll.u32 s0, $0x1;
	s5 =	sadd.s32 $0x8D000, s5  }
.LBB2_5:
0x18: {  	s13 =	sadd.s32 $0x1, s13  }
0x19: {  	p0 =	sne.s32 s13, s6  }
.Ltmp1:
0x1a: {  	_ = 	snop;
	(pc) =	sbr.rel @!p0 .LBB2_6-.Ltmp1, $4  }
0x1b: {  	[hbm4b:s5+s11] =	stream.strided.scatter [tilespmem:s9], [sflag:$0x1], $0x14000, s12, s11, $0x38;
	[tilespmem:$0x18080] =	vst v63  }
0x1c: {  	_ =	swait.ge [sflag:s10], $0x14000  }
0x1d: {  	[sflag:s10] =	ssyncset.done $0x0  }
0x1e: {  	[sflag:s10] =	ssyncadd.s32 $0xFFFEC000  }
.LBB2_1:
.Ltmp2:
0x1f: {  	(pc) =	sbr.rel .LBB2_2-.Ltmp2, $4  }
0x20: {  	[tilespmem:s9], [sflag:$0x1] =	stream.linear.gather [hbm4b:s2+s3], $0x14000, $0x38;
	[tilespmem:$0x18080] =	vst v63  }
0x21: {  	_ =	swait.ge [sflag:s10], $0x14000  }
0x22: {  	s14 =	smov.u32 s8;
	[sflag:s10] =	ssyncset.done $0x0  }
0x23: {  	s15 =	smov.u32 s7;
	s16 =	simm.s32 $0x0;
	[sflag:s10] =	ssyncadd.s32 $0xFFFEC000  }
.LBB2_4:
0x24: {  	s16 =	sadd.s32 $0x20, s16  }
0x25: {  	p0 =	sne.s32 s16, $0x9E0  }
.Ltmp3:
0x26: {  	_ = 	snop;
	(pc) =	sbr.rel @!p0 .LBB2_5-.Ltmp3, $2  }
0x27: {  	_ =	sdelay $0x2  }
0x28: {  	s15 =	sadd.s32 $0x10000, s15;
	s14 =	sadd.s32 $0x200, s14  }
.LBB2_2:
0x29: {  	s17 =	sadd.s32 s16, s4  }
0x2a: {  	p0 =	sgt.u32 s17, $0x9C3  }
.Ltmp4:
0x2b: {  	_ = 	snop;
	(pc) =	sbr.rel @p0 .LBB2_4-.Ltmp4, $1  }
0x2c: {  	_ =	sdelay $0x3  }
0x2d: {  	[tilespmem:s3], [sflag:$0x1] =	stream.linear.gather [hbm4b:s14+s3], $0x80, $0x38;
	[tilespmem:$0x18080] =	vst v63  }
0x2e: {  	_ =	swait.ge [sflag:s10], $0x80  }
0x2f: {  	[sflag:s10] =	ssyncset.done $0x0  }
0x30: {  	[sflag:s10] =	ssyncadd.s32 $0xFFFFFF80  }
0x31: {  	[tilespmem:s11], [sflag:$0x1] =	stream.linear.gather [hbm4b:s15+s3], $0x4000, $0x38;
	[tilespmem:$0x18080] =	vst v63  }
0x32: {  	_ =	swait.ge [sflag:s10], $0x4000  }
0x33: {  	[sflag:s10] =	ssyncset.done $0x0  }
0x34: {  	[sflag:s10] =	ssyncadd.s32 $0xFFFFC000  }
0x35: {  	v1 =	vld [tilespmem:$0x0];
	_ =	sdelay $0x4  }
0x36: {  	v2 =	vld.idx.msk [tilespmem:v0+s11+$0x0], $0xffff;
	v1 =	vshll.u32 v1, $0x3;
	_ =	sdelay $0x4  }
0x37: {  	[tilespmem:v1+s9+$0x0] =	vst.idx.add.f32.msk $0xffff, v2  }
0x38: {  	v2 =	vld [tilespmem:$0x1FFD0];
	_ =	sdelay $0x7  }
0x39: {  	v3 =	vor.u32 $0x1, v1;
	v2 =	vld.idx.msk [tilespmem:v2+s11+$0x0], $0xffff;
	_ =	sdelay $0x4  }
0x3a: {  	[tilespmem:v3+s9+$0x0] =	vst.idx.add.f32.msk $0xffff, v2  }
0x3b: {  	v2 =	vld [tilespmem:$0x1FFE0];
	_ =	sdelay $0x7  }
0x3c: {  	v3 =	vor.u32 $0x2, v1;
	v2 =	vld.idx.msk [tilespmem:v2+s11+$0x0], $0xffff;
	_ =	sdelay $0x4  }
0x3d: {  	[tilespmem:v3+s9+$0x0] =	vst.idx.add.f32.msk $0xffff, v2  }
0x3e: {  	v2 =	vld [tilespmem:$0x1FFF0];
	_ =	sdelay $0x7  }
0x3f: {  	v3 =	vor.u32 $0x3, v1;
	v2 =	vld.idx.msk [tilespmem:v2+s11+$0x0], $0xffff;
	_ =	sdelay $0x4  }
0x40: {  	[tilespmem:v3+s9+$0x0] =	vst.idx.add.f32.msk $0xffff, v2  }
0x41: {  	v3 =	vor.u32 $0x4, v1;
	v2 =	vld.idx.msk [tilespmem:v4+s11+$0x0], $0xffff;
	_ =	sdelay $0x4  }
0x42: {  	[tilespmem:v3+s9+$0x0] =	vst.idx.add.f32.msk $0xffff, v2  }
0x43: {  	v3 =	vor.u32 $0x5, v1;
	v2 =	vld.idx.msk [tilespmem:v5+s11+$0x0], $0xffff;
	_ =	sdelay $0x4  }
0x44: {  	[tilespmem:v3+s9+$0x0] =	vst.idx.add.f32.msk $0xffff, v2  }
0x45: {  	v3 =	vor.u32 $0x6, v1;
	v2 =	vld.idx.msk [tilespmem:v6+s11+$0x0], $0xffff;
	_ =	sdelay $0x4  }
0x46: {  	[tilespmem:v3+s9+$0x0] =	vst.idx.add.f32.msk $0xffff, v2  }
0x47: {  	v1 =	vor.u32 $0x7, v1;
	v2 =	vld.idx.msk [tilespmem:v7+s11+$0x0], $0xffff;
	_ =	sdelay $0x4  }
0x48: {  	[tilespmem:v1+s9+$0x0] =	vst.idx.add.f32.msk $0xffff, v2  }
0x49: {  	v1 =	vld [tilespmem:$0x10];
	_ =	sdelay $0x4  }
0x4a: {  	v2 =	vld.idx.msk [tilespmem:v8+s11+$0x0], $0xffff;
	v1 =	vshll.u32 v1, $0x3;
	_ =	sdelay $0x4  }
0x4b: {  	[tilespmem:v1+s9+$0x0] =	vst.idx.add.f32.msk $0xffff, v2  }
0x4c: {  	v3 =	vor.u32 $0x1, v1;
	v2 =	vld.idx.msk [tilespmem:v9+s11+$0x0], $0xffff;
	_ =	sdelay $0x4  }
0x4d: {  	[tilespmem:v3+s9+$0x0] =	vst.idx.add.f32.msk $0xffff, v2  }
0x4e: {  	v3 =	vor.u32 $0x2, v1;
	v2 =	vld.idx.msk [tilespmem:v10+s11+$0x0], $0xffff;
	_ =	sdelay $0x4  }
0x4f: {  	[tilespmem:v3+s9+$0x0] =	vst.idx.add.f32.msk $0xffff, v2  }
0x50: {  	v3 =	vor.u32 $0x3, v1;
	v2 =	vld.idx.msk [tilespmem:v11+s11+$0x0], $0xffff;
	_ =	sdelay $0x4  }
0x51: {  	[tilespmem:v3+s9+$0x0] =	vst.idx.add.f32.msk $0xffff, v2  }
0x52: {  	v3 =	vor.u32 $0x4, v1;
	v2 =	vld.idx.msk [tilespmem:v12+s11+$0x0], $0xffff;
	_ =	sdelay $0x4  }
0x53: {  	[tilespmem:v3+s9+$0x0] =	vst.idx.add.f32.msk $0xffff, v2  }
0x54: {  	v3 =	vor.u32 $0x5, v1;
	v2 =	vld.idx.msk [tilespmem:v13+s11+$0x0], $0xffff;
	_ =	sdelay $0x4  }
0x55: {  	[tilespmem:v3+s9+$0x0] =	vst.idx.add.f32.msk $0xffff, v2  }
0x56: {  	v3 =	vor.u32 $0x6, v1;
	v2 =	vld.idx.msk [tilespmem:v14+s11+$0x0], $0xffff;
	_ =	sdelay $0x4  }
0x57: {  	[tilespmem:v3+s9+$0x0] =	vst.idx.add.f32.msk $0xffff, v2  }
0x58: {  	v1 =	vor.u32 $0x7, v1;
	v2 =	vld.idx.msk [tilespmem:v15+s11+$0x0], $0xffff;
	_ =	sdelay $0x4  }
0x59: {  	[tilespmem:v1+s9+$0x0] =	vst.idx.add.f32.msk $0xffff, v2  }
0x5a: {  	v1 =	vld [tilespmem:$0x20];
	_ =	sdelay $0x4  }
0x5b: {  	v2 =	vld.idx.msk [tilespmem:v16+s11+$0x0], $0xffff;
	v1 =	vshll.u32 v1, $0x3;
	_ =	sdelay $0x4  }
0x5c: {  	[tilespmem:v1+s9+$0x0] =	vst.idx.add.f32.msk $0xffff, v2  }
0x5d: {  	v3 =	vor.u32 $0x1, v1;
	v2 =	vld.idx.msk [tilespmem:v17+s11+$0x0], $0xffff;
	_ =	sdelay $0x4  }
0x5e: {  	[tilespmem:v3+s9+$0x0] =	vst.idx.add.f32.msk $0xffff, v2  }
0x5f: {  	v3 =	vor.u32 $0x2, v1;
	v2 =	vld.idx.msk [tilespmem:v18+s11+$0x0], $0xffff;
	_ =	sdelay $0x4  }
0x60: {  	[tilespmem:v3+s9+$0x0] =	vst.idx.add.f32.msk $0xffff, v2  }
0x61: {  	v3 =	vor.u32 $0x3, v1;
	v2 =	vld.idx.msk [tilespmem:v19+s11+$0x0], $0xffff;
	_ =	sdelay $0x4  }
0x62: {  	[tilespmem:v3+s9+$0x0] =	vst.idx.add.f32.msk $0xffff, v2  }
0x63: {  	v3 =	vor.u32 $0x4, v1;
	v2 =	vld.idx.msk [tilespmem:v20+s11+$0x0], $0xffff;
	_ =	sdelay $0x4  }
0x64: {  	[tilespmem:v3+s9+$0x0] =	vst.idx.add.f32.msk $0xffff, v2  }
0x65: {  	v3 =	vor.u32 $0x5, v1;
	v2 =	vld.idx.msk [tilespmem:v21+s11+$0x0], $0xffff;
	_ =	sdelay $0x4  }
0x66: {  	[tilespmem:v3+s9+$0x0] =	vst.idx.add.f32.msk $0xffff, v2  }
0x67: {  	v3 =	vor.u32 $0x6, v1;
	v2 =	vld.idx.msk [tilespmem:v22+s11+$0x0], $0xffff;
	_ =	sdelay $0x4  }
0x68: {  	[tilespmem:v3+s9+$0x0] =	vst.idx.add.f32.msk $0xffff, v2  }
0x69: {  	v1 =	vor.u32 $0x7, v1;
	v2 =	vld.idx.msk [tilespmem:v23+s11+$0x0], $0xffff;
	_ =	sdelay $0x4  }
0x6a: {  	[tilespmem:v1+s9+$0x0] =	vst.idx.add.f32.msk $0xffff, v2  }
0x6b: {  	v1 =	vld [tilespmem:$0x30];
	_ =	sdelay $0x4  }
0x6c: {  	v2 =	vld.idx.msk [tilespmem:v24+s11+$0x0], $0xffff;
	v1 =	vshll.u32 v1, $0x3;
	_ =	sdelay $0x4  }
0x6d: {  	[tilespmem:v1+s9+$0x0] =	vst.idx.add.f32.msk $0xffff, v2  }
0x6e: {  	v3 =	vor.u32 $0x1, v1;
	v2 =	vld.idx.msk [tilespmem:v25+s11+$0x0], $0xffff;
	_ =	sdelay $0x4  }
0x6f: {  	[tilespmem:v3+s9+$0x0] =	vst.idx.add.f32.msk $0xffff, v2  }
0x70: {  	v3 =	vor.u32 $0x2, v1;
	v2 =	vld.idx.msk [tilespmem:v26+s11+$0x0], $0xffff;
	_ =	sdelay $0x4  }
0x71: {  	[tilespmem:v3+s9+$0x0] =	vst.idx.add.f32.msk $0xffff, v2  }
0x72: {  	v3 =	vor.u32 $0x3, v1;
	v2 =	vld.idx.msk [tilespmem:v27+s11+$0x0], $0xffff;
	_ =	sdelay $0x4  }
0x73: {  	[tilespmem:v3+s9+$0x0] =	vst.idx.add.f32.msk $0xffff, v2  }
0x74: {  	v3 =	vor.u32 $0x4, v1;
	v2 =	vld.idx.msk [tilespmem:v28+s11+$0x0], $0xffff;
	_ =	sdelay $0x4  }
0x75: {  	[tilespmem:v3+s9+$0x0] =	vst.idx.add.f32.msk $0xffff, v2  }
0x76: {  	v3 =	vor.u32 $0x5, v1;
	v2 =	vld.idx.msk [tilespmem:v29+s11+$0x0], $0xffff;
	_ =	sdelay $0x4  }
0x77: {  	[tilespmem:v3+s9+$0x0] =	vst.idx.add.f32.msk $0xffff, v2  }
0x78: {  	v3 =	vor.u32 $0x6, v1;
	v2 =	vld.idx.msk [tilespmem:v30+s11+$0x0], $0xffff;
	_ =	sdelay $0x4  }
0x79: {  	[tilespmem:v3+s9+$0x0] =	vst.idx.add.f32.msk $0xffff, v2  }
0x7a: {  	v1 =	vor.u32 $0x7, v1;
	v2 =	vld.idx.msk [tilespmem:v31+s11+$0x0], $0xffff;
	_ =	sdelay $0x4  }
0x7b: {  	[tilespmem:v1+s9+$0x0] =	vst.idx.add.f32.msk $0xffff, v2  }
0x7c: {  	v1 =	vld [tilespmem:$0x40];
	_ =	sdelay $0x4  }
0x7d: {  	v2 =	vld.idx.msk [tilespmem:v32+s11+$0x0], $0xffff;
	v1 =	vshll.u32 v1, $0x3;
	_ =	sdelay $0x4  }
0x7e: {  	[tilespmem:v1+s9+$0x0] =	vst.idx.add.f32.msk $0xffff, v2  }
0x7f: {  	v3 =	vor.u32 $0x1, v1;
	v2 =	vld.idx.msk [tilespmem:v33+s11+$0x0], $0xffff;
	_ =	sdelay $0x4  }
0x80: {  	[tilespmem:v3+s9+$0x0] =	vst.idx.add.f32.msk $0xffff, v2  }
0x81: {  	v3 =	vor.u32 $0x2, v1;
	v2 =	vld.idx.msk [tilespmem:v34+s11+$0x0], $0xffff;
	_ =	sdelay $0x4  }
0x82: {  	[tilespmem:v3+s9+$0x0] =	vst.idx.add.f32.msk $0xffff, v2  }
0x83: {  	v3 =	vor.u32 $0x3, v1;
	v2 =	vld.idx.msk [tilespmem:v35+s11+$0x0], $0xffff;
	_ =	sdelay $0x4  }
0x84: {  	[tilespmem:v3+s9+$0x0] =	vst.idx.add.f32.msk $0xffff, v2  }
0x85: {  	v3 =	vor.u32 $0x4, v1;
	v2 =	vld.idx.msk [tilespmem:v36+s11+$0x0], $0xffff;
	_ =	sdelay $0x4  }
0x86: {  	[tilespmem:v3+s9+$0x0] =	vst.idx.add.f32.msk $0xffff, v2  }
0x87: {  	v3 =	vor.u32 $0x5, v1;
	v2 =	vld.idx.msk [tilespmem:v37+s11+$0x0], $0xffff;
	_ =	sdelay $0x4  }
0x88: {  	[tilespmem:v3+s9+$0x0] =	vst.idx.add.f32.msk $0xffff, v2  }
0x89: {  	v3 =	vor.u32 $0x6, v1;
	v2 =	vld.idx.msk [tilespmem:v38+s11+$0x0], $0xffff;
	_ =	sdelay $0x4  }
0x8a: {  	[tilespmem:v3+s9+$0x0] =	vst.idx.add.f32.msk $0xffff, v2  }
0x8b: {  	v1 =	vor.u32 $0x7, v1;
	v2 =	vld.idx.msk [tilespmem:v39+s11+$0x0], $0xffff;
	_ =	sdelay $0x4  }
0x8c: {  	[tilespmem:v1+s9+$0x0] =	vst.idx.add.f32.msk $0xffff, v2  }
0x8d: {  	v1 =	vld [tilespmem:$0x50];
	_ =	sdelay $0x4  }
0x8e: {  	v2 =	vld.idx.msk [tilespmem:v40+s11+$0x0], $0xffff;
	v1 =	vshll.u32 v1, $0x3;
	_ =	sdelay $0x4  }
0x8f: {  	[tilespmem:v1+s9+$0x0] =	vst.idx.add.f32.msk $0xffff, v2  }
0x90: {  	v3 =	vor.u32 $0x1, v1;
	v2 =	vld.idx.msk [tilespmem:v41+s11+$0x0], $0xffff;
	_ =	sdelay $0x4  }
0x91: {  	[tilespmem:v3+s9+$0x0] =	vst.idx.add.f32.msk $0xffff, v2  }
0x92: {  	v3 =	vor.u32 $0x2, v1;
	v2 =	vld.idx.msk [tilespmem:v42+s11+$0x0], $0xffff;
	_ =	sdelay $0x4  }
0x93: {  	[tilespmem:v3+s9+$0x0] =	vst.idx.add.f32.msk $0xffff, v2  }
0x94: {  	v3 =	vor.u32 $0x3, v1;
	v2 =	vld.idx.msk [tilespmem:v43+s11+$0x0], $0xffff;
	_ =	sdelay $0x4  }
0x95: {  	[tilespmem:v3+s9+$0x0] =	vst.idx.add.f32.msk $0xffff, v2  }
0x96: {  	v3 =	vor.u32 $0x4, v1;
	v2 =	vld.idx.msk [tilespmem:v44+s11+$0x0], $0xffff;
	_ =	sdelay $0x4  }
0x97: {  	[tilespmem:v3+s9+$0x0] =	vst.idx.add.f32.msk $0xffff, v2  }
0x98: {  	v3 =	vor.u32 $0x5, v1;
	v2 =	vld.idx.msk [tilespmem:v45+s11+$0x0], $0xffff;
	_ =	sdelay $0x4  }
0x99: {  	[tilespmem:v3+s9+$0x0] =	vst.idx.add.f32.msk $0xffff, v2  }
0x9a: {  	v3 =	vor.u32 $0x6, v1;
	v2 =	vld.idx.msk [tilespmem:v46+s11+$0x0], $0xffff;
	_ =	sdelay $0x4  }
0x9b: {  	[tilespmem:v3+s9+$0x0] =	vst.idx.add.f32.msk $0xffff, v2  }
0x9c: {  	v1 =	vor.u32 $0x7, v1;
	v2 =	vld.idx.msk [tilespmem:v47+s11+$0x0], $0xffff;
	_ =	sdelay $0x4  }
0x9d: {  	[tilespmem:v1+s9+$0x0] =	vst.idx.add.f32.msk $0xffff, v2  }
0x9e: {  	v1 =	vld [tilespmem:$0x60];
	_ =	sdelay $0x4  }
0x9f: {  	v2 =	vld.idx.msk [tilespmem:v48+s11+$0x0], $0xffff;
	v1 =	vshll.u32 v1, $0x3;
	_ =	sdelay $0x4  }
0xa0: {  	[tilespmem:v1+s9+$0x0] =	vst.idx.add.f32.msk $0xffff, v2  }
0xa1: {  	v3 =	vor.u32 $0x1, v1;
	v2 =	vld.idx.msk [tilespmem:v49+s11+$0x0], $0xffff;
	_ =	sdelay $0x4  }
0xa2: {  	[tilespmem:v3+s9+$0x0] =	vst.idx.add.f32.msk $0xffff, v2  }
0xa3: {  	v3 =	vor.u32 $0x2, v1;
	v2 =	vld.idx.msk [tilespmem:v50+s11+$0x0], $0xffff;
	_ =	sdelay $0x4  }
0xa4: {  	[tilespmem:v3+s9+$0x0] =	vst.idx.add.f32.msk $0xffff, v2  }
0xa5: {  	v3 =	vor.u32 $0x3, v1;
	v2 =	vld.idx.msk [tilespmem:v51+s11+$0x0], $0xffff;
	_ =	sdelay $0x4  }
0xa6: {  	[tilespmem:v3+s9+$0x0] =	vst.idx.add.f32.msk $0xffff, v2  }
0xa7: {  	v3 =	vor.u32 $0x4, v1;
	v2 =	vld.idx.msk [tilespmem:v52+s11+$0x0], $0xffff;
	_ =	sdelay $0x4  }
0xa8: {  	[tilespmem:v3+s9+$0x0] =	vst.idx.add.f32.msk $0xffff, v2  }
0xa9: {  	v3 =	vor.u32 $0x5, v1;
	v2 =	vld.idx.msk [tilespmem:v53+s11+$0x0], $0xffff;
	_ =	sdelay $0x4  }
0xaa: {  	[tilespmem:v3+s9+$0x0] =	vst.idx.add.f32.msk $0xffff, v2  }
0xab: {  	v3 =	vor.u32 $0x6, v1;
	v2 =	vld.idx.msk [tilespmem:v54+s11+$0x0], $0xffff;
	_ =	sdelay $0x4  }
0xac: {  	[tilespmem:v3+s9+$0x0] =	vst.idx.add.f32.msk $0xffff, v2  }
0xad: {  	v1 =	vor.u32 $0x7, v1;
	v2 =	vld.idx.msk [tilespmem:v55+s11+$0x0], $0xffff;
	_ =	sdelay $0x4  }
0xae: {  	[tilespmem:v1+s9+$0x0] =	vst.idx.add.f32.msk $0xffff, v2  }
0xaf: {  	v1 =	vld [tilespmem:$0x70];
	_ =	sdelay $0x4  }
0xb0: {  	v2 =	vld.idx.msk [tilespmem:v56+s11+$0x0], $0xffff;
	v1 =	vshll.u32 v1, $0x3;
	_ =	sdelay $0x4  }
0xb1: {  	[tilespmem:v1+s9+$0x0] =	vst.idx.add.f32.msk $0xffff, v2  }
0xb2: {  	v3 =	vor.u32 $0x1, v1;
	v2 =	vld.idx.msk [tilespmem:v57+s11+$0x0], $0xffff;
	_ =	sdelay $0x4  }
0xb3: {  	[tilespmem:v3+s9+$0x0] =	vst.idx.add.f32.msk $0xffff, v2  }
0xb4: {  	v3 =	vor.u32 $0x2, v1;
	v2 =	vld.idx.msk [tilespmem:v58+s11+$0x0], $0xffff;
	_ =	sdelay $0x4  }
0xb5: {  	[tilespmem:v3+s9+$0x0] =	vst.idx.add.f32.msk $0xffff, v2  }
0xb6: {  	v3 =	vor.u32 $0x3, v1;
	v2 =	vld.idx.msk [tilespmem:v59+s11+$0x0], $0xffff;
	_ =	sdelay $0x4  }
0xb7: {  	[tilespmem:v3+s9+$0x0] =	vst.idx.add.f32.msk $0xffff, v2  }
0xb8: {  	v3 =	vor.u32 $0x4, v1;
	v2 =	vld.idx.msk [tilespmem:v60+s11+$0x0], $0xffff;
	_ =	sdelay $0x4  }
0xb9: {  	[tilespmem:v3+s9+$0x0] =	vst.idx.add.f32.msk $0xffff, v2  }
0xba: {  	v3 =	vor.u32 $0x5, v1;
	v2 =	vld.idx.msk [tilespmem:v61+s11+$0x0], $0xffff;
	_ =	sdelay $0x4  }
0xbb: {  	[tilespmem:v3+s9+$0x0] =	vst.idx.add.f32.msk $0xffff, v2  }
0xbc: {  	v3 =	vor.u32 $0x6, v1;
	v2 =	vld.idx.msk [tilespmem:v62+s11+$0x0], $0xffff;
	_ =	sdelay $0x4  }
0xbd: {  	[tilespmem:v3+s9+$0x0] =	vst.idx.add.f32.msk $0xffff, v2  }
0xbe: {  	v1 =	vor.u32 $0x7, v1;
	v2 =	vld.idx.msk [tilespmem:v63+s11+$0x0], $0xffff  }
.Ltmp5:
0xbf: {  	_ = 	snop;
	(pc) =	sbr.rel .LBB2_4-.Ltmp5, $2  }
0xc0: {  	_ =	sdelay $0x2  }
0xc1: {  	[tilespmem:v1+s9+$0x0] =	vst.idx.add.f32.msk $0xffff, v2  }
.LBB2_6:
0xc2: {  	_ =	sfence.sel $0x180000  }
0xc3: {  	[bflag:$0x0] =	sbarrier.arrive $0xFFFF  }
0xc4: {  	p0 =	sne.s32 s0, $0x0;
	_ =	strace $0x9000004A  }
0xc5: {  	s0 =	sadd.s32 @!p0 $0x100000, s1;
	[bflag:$0x2] =	sbarrier.arrive $0xFFFF  }
0xc6: {  	[sflag:s0] =	ssyncadd.tile.s32 @!p0 $0x1;
	_ =	shalt  }
.Lfunc_end2:
_tile_overlayer_lowered:
.L_overlay_start_2:
0xc7: {  	(tag) =	ssettag $0x2  }
0xc8: {  	s0 =	rddreg [dreg:$0x0];
	s2 =	stileid.u32  }
0xc9: {  	s1 =	rddreg [dreg:$0x1];
	p0 =	sne.s32 s2, $0x0  }
0xca: {  	s3 =	rddreg [dreg:$0x2];
	[bflag:$0x3] =	sbarrier.arrive $0xFFFF;
	s2 =	simm.s32 @!p0 $0x1C01  }
0xcb: {  	[timem:s3], [sflag:s2] =	dma.local @!p0 [hbm:s0], s1  }
0xcc: {  	s0 =	simm.s32 @!p0 $0x1  }
0xcd: {  	_ =	swait.ge @!p0 [sflag:s0], s1  }
0xce: {  	s1 =	ssub.s32 @!p0 $0x0, s1;
	[sflag:s0] =	ssyncset.done @!p0 $0x0  }
0xcf: {  	[sflag:s0] =	ssyncadd.s32 @!p0 s1  }
0xd0: {  	[bflag:$0x3] =	sbarrier.arrive $0xFFFF  }
0xd1: {  	_ =	shalt  }

// kernel: kernel.8.cloned.1.call-start
scs
__scs_entry_jumppad:
0x0: {  	(pc) =	sbr.rel $0x88, $3  }
0x1: {  	(tag) =	ssettag $0x0;
	lr =	simm.s32 $0x1  }
0x2: {  	[smem:$0x3F8E] =	sst lr;
	_ =	strace $0xD0000000  }
0x3: {  	_ = 	snop  }
0x4: {  	_ = 	snop  }
0x5: {  	_ = 	snop  }
0x6: {  	_ = 	snop  }
0x7: {  	_ = 	snop  }
__scs_overlays_trampoline_lowered:
0x8: {  	[smem:$0x3F9D] =	sst s0  }
0x9: {  	[smem:$0x3F9E] =	sst s1  }
0xa: {  	[smem:$0x3F9F] =	sst s2  }
0xb: {  	[smem:$0x3FA0] =	sst s3  }
0xc: {  	[smem:$0x3FA1] =	sst s4  }
0xd: {  	[smem:$0x3FA2] =	sst s5  }
0xe: {  	[smem:$0x3FA3] =	sst s6  }
0xf: {  	[smem:$0x3FA4] =	sst s7  }
0x10: {  	[smem:$0x3FA5] =	sst s8  }
0x11: {  	[smem:$0x3FA6] =	sst s9;
	s0 =	simm.s32 @!p0 $0x0  }
0x12: {  	s1 =	sld [smem:$0x3F8C];
	s0 =	simm.s32 @p0 $0x1  }
0x13: {  	[smem:$0x3FA7] =	sst s0;
	s0 =	simm.s32 @!p1 $0x0  }
0x14: {  	s2 =	sld [smem:$0x3F8B];
	s0 =	simm.s32 @p1 $0x1  }
0x15: {  	[smem:$0x3FA8] =	sst s0;
	s0 =	simm.s32 @!p2 $0x0  }
0x16: {  	s3 =	sld [smem:$0x3FDB];
	s0 =	simm.s32 @p2 $0x1  }
0x17: {  	s4 =	simm.s32 $0x1BF5;
	[smem:$0x3FAA] =	sst s0  }
0x18: {  	s0 =	sld [smem:$0x3F8D];
	_ =	swait.ge [sflag:s4], $0x0  }
0x19: {  	s7 =	sld [smem:$0x3F8E]  }
0x1a: {  	s8 =	sadd.s32 $0xFFFFE003, lr  }
0x1b: {  	s9 =	sadd.s32 $0xFFFFFEF7, lr;
	s5 =	simm.s32 $0xFFFFFFFF;
	p2 =	slt.u32 s8, $0xFFFFF086  }
0x1c: {  	p1 =	slt.u32 s9, $0xF7A;
	s5 =	simm.s32 @!p2 $0x0  }
0x1d: {  	s5 =	simm.s32 @p1 $0x1;
	p0 =	seq.s32 s7, s2  }
0x1e: {  	s7 =	smul.u32 @!p0 $0xF7A, s2;
	p2 =	seq.s32 @!p0 s5, $0x0  }
0x1f: {  	s9 =	smul.u32 $0xF7A, s1;
	s8 =	simm.s32 @!p0 $0x1BF5;
	p2 =	por !p2, p0  }
0x20: {  	[sflag:s8] =	ssyncset.s32 @!p0 $0xFFFFF086;
	s6 =	sadd.s32 @!p0 s3, s7;
	s7 =	simm.s32 @!p0 $0x108  }
0x21: {  	s3 =	sadd.s32 s3, s9;
	s6 =	sadd.s32 @!p0 $0x88, s6;
	s7 =	simm.s32 @p2 $0x1082  }
0x22: {  	[simem:s7], [sflag:s8] =	dma.local @!p0 [hbm:s6], $0xF7A  }
0x23: {  	s9 =	sor.u32 $0xD0000000, s2;
	s6 =	simm.s32 $0x108;
	_ =	swait.ge @!p0 [sflag:s8], $0x0  }
0x24: {  	s3 =	sadd.s32 $0x88, s3;
	s6 =	simm.s32 @!p1 $0x1082;
	[sflag:s4] =	ssyncset.s32 $0xFFFFF086  }
0x25: {  	[simem:s6], [sflag:s4] =	dma.local [hbm:s3], $0xF7A  }
0x26: {  	[smem:$0x3F8E] =	sst s1;
	(tag) =	ssettag s2;
	_ =	strace s9  }
0x27: {  	s1 =	sld [smem:$0x3F9E]  }
0x28: {  	s2 =	sld [smem:$0x3F9F]  }
0x29: {  	s4 =	sld [smem:$0x3FA1]  }
0x2a: {  	p0 =	seq.s32 s5, $0x0;
	s5 =	sld [smem:$0x3FA2]  }
0x2b: {  	s6 =	sld [smem:$0x3FA3]  }
0x2c: {  	s7 =	sld [smem:$0x3FA4]  }
0x2d: {  	s3 =	simm.s32 $0x108;
	s8 =	sld [smem:$0x3FA5]  }
0x2e: {  	s3 =	simm.s32 @!p0 $0x1082;
	s9 =	sld [smem:$0x3FA6]  }
0x2f: {  	lr =	sadd.s32 s0, s3;
	s0 =	sld [smem:$0x3F9D]  }
0x30: {  	s3 =	sld [smem:$0x3FA0]  }
0x31: {  	[smem:$0x3FA9] =	sst s10  }
0x32: {  	s10 =	sld [smem:$0x3FA7];
	_ =	sdelay $0x3  }
0x33: {  	p0 =	seq.s32 s10, $0x1;
	s10 =	sld [smem:$0x3FA9];
	_ =	sdelay $0x3  }
0x34: {  	[smem:$0x3FA9] =	sst s10  }
0x35: {  	s10 =	sld [smem:$0x3FA8];
	_ =	sdelay $0x3  }
0x36: {  	p1 =	seq.s32 s10, $0x1;
	s10 =	sld [smem:$0x3FA9];
	_ =	sdelay $0x3  }
0x37: {  	[smem:$0x3FA9] =	sst s10  }
0x38: {  	s10 =	sld [smem:$0x3FAA]  }
0x39: {  	_ = 	snop;
	(pc) =	sbr.ind lr, $3  }
0x3a: {  	_ = 	snop  }
0x3b: {  	_ = 	snop  }
0x3c: {  	p2 =	seq.s32 s10, $0x1;
	s10 =	sld [smem:$0x3FA9]  }
0x3d: {  	_ =	shalt  }
0x3e: {  	_ =	shalt  }
0x3f: {  	_ =	shalt  }
0x40: {  	_ =	shalt  }
0x41: {  	_ =	shalt  }
0x42: {  	_ =	shalt  }
0x43: {  	_ =	shalt  }
0x44: {  	_ =	shalt  }
0x45: {  	_ =	shalt  }
0x46: {  	_ =	shalt  }
0x47: {  	_ =	shalt  }
0x48: {  	_ =	shalt  }
0x49: {  	_ =	shalt  }
0x4a: {  	_ =	shalt  }
0x4b: {  	_ =	shalt  }
0x4c: {  	_ =	shalt  }
0x4d: {  	_ =	shalt  }
0x4e: {  	_ =	shalt  }
0x4f: {  	_ =	shalt  }
0x50: {  	_ =	shalt  }
0x51: {  	_ =	shalt  }
0x52: {  	_ =	shalt  }
0x53: {  	_ =	shalt  }
0x54: {  	_ =	shalt  }
0x55: {  	_ =	shalt  }
0x56: {  	_ =	shalt  }
0x57: {  	_ =	shalt  }
0x58: {  	_ =	shalt  }
0x59: {  	_ =	shalt  }
0x5a: {  	_ =	shalt  }
0x5b: {  	_ =	shalt  }
0x5c: {  	_ =	shalt  }
0x5d: {  	_ =	shalt  }
0x5e: {  	_ =	shalt  }
0x5f: {  	_ =	shalt  }
0x60: {  	_ =	shalt  }
0x61: {  	_ =	shalt  }
0x62: {  	_ =	shalt  }
0x63: {  	_ =	shalt  }
0x64: {  	_ =	shalt  }
0x65: {  	_ =	shalt  }
0x66: {  	_ =	shalt  }
0x67: {  	_ =	shalt  }
0x68: {  	_ =	shalt  }
0x69: {  	_ =	shalt  }
0x6a: {  	_ =	shalt  }
0x6b: {  	_ =	shalt  }
0x6c: {  	_ =	shalt  }
0x6d: {  	_ =	shalt  }
0x6e: {  	_ =	shalt  }
0x6f: {  	_ =	shalt  }
0x70: {  	_ =	shalt  }
0x71: {  	_ =	shalt  }
0x72: {  	_ =	shalt  }
0x73: {  	_ =	shalt  }
0x74: {  	_ =	shalt  }
0x75: {  	_ =	shalt  }
0x76: {  	_ =	shalt  }
0x77: {  	_ =	shalt  }
0x78: {  	_ =	shalt  }
0x79: {  	_ =	shalt  }
0x7a: {  	_ =	shalt  }
0x7b: {  	_ =	shalt  }
0x7c: {  	_ =	shalt  }
0x7d: {  	_ =	shalt  }
0x7e: {  	_ =	shalt  }
0x7f: {  	_ =	shalt  }
0x80: {  	_ =	shalt  }
0x81: {  	_ =	shalt  }
0x82: {  	_ =	shalt  }
0x83: {  	_ =	shalt  }
0x84: {  	_ =	shalt  }
0x85: {  	_ =	shalt  }
0x86: {  	_ =	shalt  }
0x87: {  	_ =	shalt  }
.Lfunc_end0:
.L_simem_size_0:
called_computation_lowered:
.L_overlay_start_0:
0x88: {  	s2 =	sld [smem:$0x3FD9]  }
0x89: {  	s3 =	sld [smem:$0x3FFE];
	_ =	sdelay $0x1  }
0x8a: {  	s1 =	srdreg.scid  }
0x8b: {  	s0 =	sand.u32 $0x1, s1  }
0x8c: {  	s17 =	sshll.u32 s0, $0xA;
	s2 =	sadd.s32 s3, s2  }
0x8d: {  	s2 =	sadd.s32 s2, s17  }
0x8e: {  	[smem:$0x3FB5] =	sst s2  }
0x8f: {  	_ = 	snop  }
0x90: {  	s2 =	sld [smem:$0x3FD0];
	(tm) =	ssettm $0x1  }
0x91: {  	s18 =	sld [smem:$0x3FFB];
	_ =	sdelay $0x3  }
0x92: {  	_ =	strace s18  }
0x93: {  	s3 =	sld [smem:$0x3FFC];
	_ =	sdelay $0x3  }
0x94: {  	_ =	strace s3  }
0x95: {  	s3 =	sld [smem:$0x3FFD];
	_ =	sdelay $0x3  }
0x96: {  	_ =	strace s3  }
0x97: {  	_ =	strace $0x8FFFFFFF  }
0x98: {  	s19 =	sld [smem:$0x3FDB];
	_ =	sdelay $0x1  }
0x99: {  	s4 =	simm.s32 $_scs_section_size  }
0x9a: {  	s5 =	simm.s32 $_size__tile_overlayer_lowered;
	s6 =	simm.s32 $_tile_overlayer_lowered  }
0x9b: {  	s22 =	simm.s32 $0x1BFF;
	s21 =	sshll.u32 s6, $0x1;
	s3 =	sadd.s32 s4, s19  }
0x9c: {  	s7 =	simm.s32 $0x0;
	s20 =	sshll.u32 s5, $0x1;
	s5 =	sadd.s32 s21, s3  }
0x9d: {  	[timem:s7], [sflag:s22] =	dma.local [hbm:s5], s20  }
0x9e: {  	_ =	swait.ge [sflag:s22], s20  }
0x9f: {  	s4 =	ssub.s32 $0x0, s20;
	[sflag:s22] =	ssyncset.done $0x0  }
0xa0: {  	[sflag:s22] =	ssyncadd.s32 s4;
	_ =	sdelay $0x1  }
0xa1: {  	s23 =	simm.s32 $0x1B8B  }
0xa2: {  	_ =	swait.ge [sflag:s23], $0x1  }
0xa3: {  	[sflag:s23] =	ssyncset.done $0x0  }
0xa4: {  	s25 =	simm.s32 $0x1B8E;
	s24 =	sld [smem:$0x3FFE];
	[sflag:s23] =	ssyncadd.s32 $0xFFFFFFFF  }
0xa5: {  	s26 =	simm.s32 $execute0_lowered;
	[smem:$0x3FD2] =	sst s25  }
0xa6: {  	s5 =	sshll.u32 s26, $0x1;
	_ =	strace $0x80000046;
	[dreg:$0x1] =	wrdreg $0xFFFFFFFF  }
0xa7: {  	s28 =	simm.s32 $_size_execute0_lowered;
	s3 =	sadd.s32 s3, s5;
	[dreg:$0x0] =	wrdreg $0x0  }
0xa8: {  	s5 =	sshll.u32 s28, $0x1;
	[dreg:$0x2] =	wrdreg s3  }
0xa9: {  	[dreg:$0x3] =	wrdreg s5  }
0xaa: {  	[dreg:$0x4] =	wrdreg $0xC0  }
0xab: {  	_ =	task [dreg:s7], $0x5FFFF  }
0xac: {  	[dreg:$0x1] =	wrdreg $0xFFFFFFFF  }
0xad: {  	[dreg:$0x0] =	wrdreg $0x60  }
0xae: {  	[dreg:$0x2] =	wrdreg s2  }
0xaf: {  	[dreg:$0x3] =	wrdreg s24  }
0xb0: {  	[dreg:$0x4] =	wrdreg $0x9  }
0xb1: {  	_ =	task.clear_ibuf [dreg:s7], $0x5FFFF;
	_ =	strace $0x90000046  }
0xb2: {  	s29 =	simm.s32 $0x9;
	_ =	strace $0x80000048  }
0xb3: {  	_ =	swait.ge [sflag:s29], $0x1  }
0xb4: {  	[sflag:s29] =	ssyncadd.s32 $0xFFFFFFFF  }
0xb5: {  	_ =	strace $0x90000048  }
0xb6: {  	_ =	sfence  }
0xb7: {  	s30 =	sld [smem:$0x0];
	_ =	sdelay $0x2  }
0xb8: {  	s31 =	sshll.u32 s1, $0xD;
	s1 =	sshrl.u32 s1, $0x2  }
0xb9: {  	s3 =	sand.u32 $0x4000, s31;
	s1 =	sadd.s32 s1, s30  }
0xba: {  	s0 =	sor.u32 s3, s0;
	s1 =	sshll.u32 s1, $0x11  }
0xbb: {  	s0 =	sor.u32 s1, s0  }
0xbc: {  	s0 =	sadd.s32 $0x8F2B, s0  }
0xbd: {  	[sflag:s0] =	ssyncadd.remote.s32 $0x1  }
0xbe: {  	_ =	sfence.sel $0xFFFF  }
0xbf: {  	[dreg:$0x0] =	wrdreg $0xFFFFFFFF;
	(pc) =	sbr.abs _section_cstart, $3  }
0xc0: {  	[dreg:$0x1] =	wrdreg $0xFFFFFFFF  }
0xc1: {  	_ =	task.clear_ibuf [dreg:s7], $0x2FFFF;
	_ =	strace $0x9FFFFFFF  }
0xc2: {  	(tm) =	ssettm $0x7FFFFFFF  }
0xc3: {  	_ =	shalt  }
tec
execute0_lowered:
.L_overlay_start_1:
0x0: {  	(tag) =	ssettag $0x1  }
0x1: {  	s1 =	rddreg [dreg:$0x0]  }
0x2: {  	s0 =	rddreg [dreg:$0x1]  }
0x3: {  	s3 =	simm.s32 $0x0;
	s10 =	stileid.u32;
	s2 =	srdreg.scid  }
0x4: {  	s11 =	simm.s32 $0x80;
	s12 =	simm.s32 $0x1;
	s13 =	simm.s32 $0x2  }
0x5: {  	s14 =	simm.s32 $0x4100;
	s15 =	simm.s32 $0x4900;
	s16 =	simm.s32 $0x5100  }
0x6: {  	s17 =	simm.s32 $0x5900;
	s18 =	simm.s32 $0x6100;
	s19 =	simm.s32 $0x6900  }
0x7: {  	s20 =	simm.s32 $0x7100;
	s21 =	simm.s32 $0x7900;
	s22 =	simm.s32 $0x8100  }
0x8: {  	s23 =	simm.s32 $0x8900;
	s28 =	simm.s32 $0xA900;
	s29 =	simm.s32 $0xB100  }
0x9: {  	s30 =	simm.s32 $0xB900;
	s31 =	simm.s32 $0x100;
	[smem:$0x7FF] =	sst s3  }
0xa: {  	s5 =	sshll.u32 s10, $0x5;
	s2 =	sand.u32 $0x1, s2;
	s4 =	sadd.s32 $0x17C00, s0  }
0xb: {  	s7 =	sshll.u32 s10, $0xC;
	s8 =	sshll.u32 s10, $0xD;
	s24 =	sshll.u32 s10, $0x1  }
0xc: {  	_ =	strace $0x80000047;
	s5 =	sadd.s32 s5, s0;
	s6 =	ssub.s32 $0x2, s2  }
0xd: {  	s7 =	sadd.s32 s7, s0;
	s0 =	sadd.s32 s8, s0;
	[dreg:$0x3] =	wrdreg s24  }
0xe: {  	s25 =	sshll.u32 s2, $0xB;
	s26 =	sshll.u32 s2, $0xC;
	s2 =	sshll.u32 s2, $0x4  }
0xf: {  	s24 =	simm.s32 $0x9100;
	s9 =	sshrl.u32 s6, $0x1;
	s0 =	sadd.s32 s26, s0  }
.Ltmp0:
0x10: {  	s2 =	sadd.s32 s2, s5;
	s6 =	ssub.s32 s6, s9;
	(pc) =	sbr.rel .LBB2_1-.Ltmp0, $4  }
0x11: {  	s26 =	simm.s32 $0xA100;
	s0 =	sadd.s32 $0x56F000, s0;
	s6 =	smax.u32 s6, $0x1  }
0x12: {  	v2 =	vlaneseq.u32;
	s9 =	sadd.s32 $0xDE00, s2;
	[dreg:$0x4] =	wrdreg s6;
	s6 =	sadd.s32 s25, s7  }
0x13: {  	vm0 =	vmmov $0xffff;
	v1 =	vshrl.u32 v2, $0x3;
	s10 =	sadd.s32 $0x4000, s2;
	[dreg:$0x6] =	wrdreg s0;
	s6 =	sadd.s32 $0x8D000, s6  }
0x14: {  	v0 =	vand.u32 $0x7, v2;
	v2 =	vor.u32 $0x8, v2;
	v1 =	vmul.u32 $0x8, v1;
	s0 =	simm.s32 $0x0;
	s25 =	simm.s32 $0x9900;
	[dreg:$0x5] =	wrdreg s6  }
.LBB2_5:
0x15: {  	s0 =	sadd.s32 $0x1, s0;
	s2 =	rddreg [dreg:$0x4]  }
0x16: {  	p0 =	sne.s32 s0, s2  }
.Ltmp1:
0x17: {  	_ = 	snop;
	(pc) =	sbr.rel @!p0 .LBB2_6-.Ltmp1, $1  }
0x18: {  	_ =	sdelay $0x3  }
.LBB2_1:
.Ltmp2:
0x19: {  	(pc) =	sbr.rel .LBB2_2-.Ltmp2, $4  }
0x1a: {  	_ = 	snop  }
0x1b: {  	s5 =	rddreg [dreg:$0x3]  }
0x1c: {  	s8 =	rddreg [dreg:$0x6]  }
0x1d: {  	s7 =	rddreg [dreg:$0x5];
	s2 =	simm.s32 $0x0  }
.LBB2_4:
0x1e: {  	s2 =	sadd.s32 $0x200, s2  }
0x1f: {  	p0 =	sne.s32 s2, $0x9E00  }
.Ltmp3:
0x20: {  	_ = 	snop;
	(pc) =	sbr.rel @!p0 .LBB2_5-.Ltmp3, $2  }
0x21: {  	_ =	sdelay $0x2  }
0x22: {  	s7 =	sadd.s32 $0x10000, s7;
	s8 =	sadd.s32 $0x20000, s8;
	s5 =	sadd.s32 $0x20, s5  }
.LBB2_2:
0x23: {  	p0 =	sgt.u32 s5, $0x9C3  }
.Ltmp4:
0x24: {  	_ = 	snop;
	(pc) =	sbr.rel @p0 .LBB2_4-.Ltmp4, $1  }
0x25: {  	_ =	sdelay $0x3  }
0x26: {  	s6 =	sadd.s32 s2, s10  }
0x27: {  	[tilespmem:s3], [sflag:$0x1] =	stream.linear.gather [hbm4b:s6+s3], $0x80, $0x38;
	[tilespmem:$0xC100] =	vst v63  }
0x28: {  	s6 =	sadd.s32 s2, s9  }
0x29: {  	[tilespmem:s11], [sflag:$0x2] =	stream.linear.gather [hbm4b:s6+s3], $0x80, $0x38;
	[tilespmem:$0xC100] =	vst v63  }
0x2a: {  	_ =	swait.ge [sflag:s12], $0x80  }
0x2b: {  	[sflag:s12] =	ssyncset.done $0x0  }
0x2c: {  	[sflag:s12] =	ssyncadd.s32 $0xFFFFFF80  }
0x2d: {  	_ =	swait.ge [sflag:s13], $0x80  }
0x2e: {  	[sflag:s13] =	ssyncset.done $0x0  }
0x2f: {  	[sflag:s13] =	ssyncadd.s32 $0xFFFFFF80  }
0x30: {  	v3 =	vld [tilespmem:$0x0];
	_ =	sdelay $0x4  }
0x31: {  	v4 =	vshll.u32 v3, $0x1  }
0x32: {  	v3 =	vand.u32 $0x7, v3;
	v4 =	vand.u32 $0xFFFFFFF0, v4  }
0x33: {  	v3 =	vor.u32 v3, v4  }
0x34: {  	v4 =	vperm.xlane v3, v0;
	_ =	sdelay $0x1  }
0x35: {  	v3 =	vperm.xlane v3, v2;
	v4 =	vadd.s32 v1, v4;
	_ =	sdelay $0x1  }
0x36: {  	v3 =	vadd.s32 v1, v3;
	_ =	sdelay $0x2  }
0x37: {  	[tilespmem:s14], [sflag:$0x1] =	stream.indirect_vreg.gather [hbm4b:s4+s3], $0x80, v4, vm0, $0xb8;
	[tilespmem:$0xC100] =	vst v63  }
0x38: {  	_ = 	snop  }
0x39: {  	[tilespmem:s15], [sflag:$0x1] =	stream.indirect_vreg.gather [hbm4b:s4+s3], $0x80, v3, vm0, $0xb8;
	[tilespmem:$0xC100] =	vst v63  }
0x3a: {  	v3 =	vld [tilespmem:$0x10];
	_ =	sdelay $0x4  }
0x3b: {  	v57 =	vshll.u32 v3, $0x1  }
0x3c: {  	v3 =	vand.u32 $0x7, v3;
	v4 =	vand.u32 $0xFFFFFFF0, v57  }
0x3d: {  	v3 =	vor.u32 v3, v4  }
0x3e: {  	v4 =	vperm.xlane v3, v0;
	_ =	sdelay $0x1  }
0x3f: {  	v3 =	vperm.xlane v3, v2;
	v4 =	vadd.s32 v1, v4;
	_ =	sdelay $0x1  }
0x40: {  	v3 =	vadd.s32 v1, v3;
	_ =	sdelay $0x2  }
0x41: {  	[tilespmem:s16], [sflag:$0x1] =	stream.indirect_vreg.gather [hbm4b:s4+s3], $0x80, v4, vm0, $0xb8;
	[tilespmem:$0xC100] =	vst v63  }
0x42: {  	_ = 	snop  }
0x43: {  	[tilespmem:s17], [sflag:$0x1] =	stream.indirect_vreg.gather [hbm4b:s4+s3], $0x80, v3, vm0, $0xb8;
	[tilespmem:$0xC100] =	vst v63  }
0x44: {  	v3 =	vld [tilespmem:$0x20];
	_ =	sdelay $0x4  }
0x45: {  	v58 =	vshll.u32 v3, $0x1  }
0x46: {  	v3 =	vand.u32 $0x7, v3;
	v4 =	vand.u32 $0xFFFFFFF0, v58  }
0x47: {  	v3 =	vor.u32 v3, v4  }
0x48: {  	v4 =	vperm.xlane v3, v0;
	_ =	sdelay $0x1  }
0x49: {  	v3 =	vperm.xlane v3, v2;
	v4 =	vadd.s32 v1, v4;
	_ =	sdelay $0x1  }
0x4a: {  	v3 =	vadd.s32 v1, v3;
	_ =	sdelay $0x2  }
0x4b: {  	[tilespmem:s18], [sflag:$0x1] =	stream.indirect_vreg.gather [hbm4b:s4+s3], $0x80, v4, vm0, $0xb8;
	[tilespmem:$0xC100] =	vst v63  }
0x4c: {  	_ = 	snop  }
0x4d: {  	[tilespmem:s19], [sflag:$0x1] =	stream.indirect_vreg.gather [hbm4b:s4+s3], $0x80, v3, vm0, $0xb8;
	[tilespmem:$0xC100] =	vst v63  }
0x4e: {  	v3 =	vld [tilespmem:$0x30];
	_ =	sdelay $0x4  }
0x4f: {  	v59 =	vshll.u32 v3, $0x1  }
0x50: {  	v3 =	vand.u32 $0x7, v3;
	v4 =	vand.u32 $0xFFFFFFF0, v59  }
0x51: {  	v3 =	vor.u32 v3, v4  }
0x52: {  	v4 =	vperm.xlane v3, v0;
	_ =	sdelay $0x1  }
0x53: {  	v3 =	vperm.xlane v3, v2;
	v4 =	vadd.s32 v1, v4;
	_ =	sdelay $0x1  }
0x54: {  	v3 =	vadd.s32 v1, v3;
	_ =	sdelay $0x2  }
0x55: {  	[tilespmem:s20], [sflag:$0x1] =	stream.indirect_vreg.gather [hbm4b:s4+s3], $0x80, v4, vm0, $0xb8;
	[tilespmem:$0xC100] =	vst v63  }
0x56: {  	_ = 	snop  }
0x57: {  	[tilespmem:s21], [sflag:$0x1] =	stream.indirect_vreg.gather [hbm4b:s4+s3], $0x80, v3, vm0, $0xb8;
	[tilespmem:$0xC100] =	vst v63  }
0x58: {  	v3 =	vld [tilespmem:$0x40];
	_ =	sdelay $0x4  }
0x59: {  	v60 =	vshll.u32 v3, $0x1  }
0x5a: {  	v3 =	vand.u32 $0x7, v3;
	v4 =	vand.u32 $0xFFFFFFF0, v60  }
0x5b: {  	v3 =	vor.u32 v3, v4  }
0x5c: {  	v4 =	vperm.xlane v3, v0;
	_ =	sdelay $0x1  }
0x5d: {  	v3 =	vperm.xlane v3, v2;
	v4 =	vadd.s32 v1, v4;
	_ =	sdelay $0x1  }
0x5e: {  	v3 =	vadd.s32 v1, v3;
	_ =	sdelay $0x2  }
0x5f: {  	[tilespmem:s22], [sflag:$0x1] =	stream.indirect_vreg.gather [hbm4b:s4+s3], $0x80, v4, vm0, $0xb8;
	[tilespmem:$0xC100] =	vst v63  }
0x60: {  	_ = 	snop  }
0x61: {  	[tilespmem:s23], [sflag:$0x1] =	stream.indirect_vreg.gather [hbm4b:s4+s3], $0x80, v3, vm0, $0xb8;
	[tilespmem:$0xC100] =	vst v63  }
0x62: {  	v3 =	vld [tilespmem:$0x50];
	_ =	sdelay $0x4  }
0x63: {  	v61 =	vshll.u32 v3, $0x1  }
0x64: {  	v3 =	vand.u32 $0x7, v3;
	v4 =	vand.u32 $0xFFFFFFF0, v61  }
0x65: {  	v3 =	vor.u32 v3, v4  }
0x66: {  	v4 =	vperm.xlane v3, v0;
	_ =	sdelay $0x1  }
0x67: {  	v3 =	vperm.xlane v3, v2;
	v4 =	vadd.s32 v1, v4;
	_ =	sdelay $0x1  }
0x68: {  	v3 =	vadd.s32 v1, v3;
	_ =	sdelay $0x2  }
0x69: {  	[tilespmem:s24], [sflag:$0x1] =	stream.indirect_vreg.gather [hbm4b:s4+s3], $0x80, v4, vm0, $0xb8;
	[tilespmem:$0xC100] =	vst v63  }
0x6a: {  	_ = 	snop  }
0x6b: {  	[tilespmem:s25], [sflag:$0x1] =	stream.indirect_vreg.gather [hbm4b:s4+s3], $0x80, v3, vm0, $0xb8;
	[tilespmem:$0xC100] =	vst v63  }
0x6c: {  	v3 =	vld [tilespmem:$0x60];
	_ =	sdelay $0x4  }
0x6d: {  	v62 =	vshll.u32 v3, $0x1  }
0x6e: {  	v3 =	vand.u32 $0x7, v3;
	v4 =	vand.u32 $0xFFFFFFF0, v62  }
0x6f: {  	v3 =	vor.u32 v3, v4  }
0x70: {  	v4 =	vperm.xlane v3, v0;
	_ =	sdelay $0x1  }
0x71: {  	v3 =	vperm.xlane v3, v2;
	v4 =	vadd.s32 v1, v4;
	_ =	sdelay $0x1  }
0x72: {  	v3 =	vadd.s32 v1, v3;
	_ =	sdelay $0x2  }
0x73: {  	[tilespmem:s26], [sflag:$0x1] =	stream.indirect_vreg.gather [hbm4b:s4+s3], $0x80, v4, vm0, $0xb8;
	[tilespmem:$0xC100] =	vst v63  }
0x74: {  	_ = 	snop  }
0x75: {  	[tilespmem:s28], [sflag:$0x1] =	stream.indirect_vreg.gather [hbm4b:s4+s3], $0x80, v3, vm0, $0xb8;
	[tilespmem:$0xC100] =	vst v63  }
0x76: {  	v3 =	vld [tilespmem:$0x70];
	_ =	sdelay $0x4  }
0x77: {  	v63 =	vshll.u32 v3, $0x1  }
0x78: {  	v3 =	vand.u32 $0x7, v3;
	v4 =	vand.u32 $0xFFFFFFF0, v63  }
0x79: {  	v3 =	vor.u32 v3, v4  }
0x7a: {  	v4 =	vperm.xlane v3, v0;
	_ =	sdelay $0x1  }
0x7b: {  	v3 =	vperm.xlane v3, v2;
	v4 =	vadd.s32 v1, v4;
	_ =	sdelay $0x1  }
0x7c: {  	v3 =	vadd.s32 v1, v3;
	_ =	sdelay $0x2  }
0x7d: {  	[tilespmem:s29], [sflag:$0x1] =	stream.indirect_vreg.gather [hbm4b:s4+s3], $0x80, v4, vm0, $0xb8;
	[tilespmem:$0xC100] =	vst v63  }
0x7e: {  	_ = 	snop  }
0x7f: {  	[tilespmem:s30], [sflag:$0x1] =	stream.indirect_vreg.gather [hbm4b:s4+s3], $0x80, v3, vm0, $0xb8;
	[tilespmem:$0xC100] =	vst v63  }
0x80: {  	_ = 	snop  }
0x81: {  	[tilespmem:s31], [sflag:$0x2] =	stream.indirect.gather [hbm4b:s1+s11], $0x80, s11, s11, $0xb8;
	[tilespmem:$0xC100] =	vst v63  }
0x82: {  	_ =	swait.ge [sflag:s12], $0x8000  }
0x83: {  	[sflag:s12] =	ssyncset.done $0x0  }
0x84: {  	[sflag:s12] =	ssyncadd.s32 $0xFFFF8000  }
0x85: {  	_ =	swait.ge [sflag:s13], $0x4000  }
0x86: {  	[sflag:s13] =	ssyncset.done $0x0  }
0x87: {  	[sflag:s13] =	ssyncadd.s32 $0xFFFFC000  }
0x88: {  	[hbm4b:s8+s3] =	stream.linear.scatter [tilespmem:s14], [sflag:$0x1], $0x8000, $0x38;
	[tilespmem:$0xC100] =	vst v63  }
0x89: {  	_ = 	snop  }
0x8a: {  	[hbm4b:s7+s3] =	stream.linear.scatter [tilespmem:s31], [sflag:$0x2], $0x4000, $0x38;
	[tilespmem:$0xC100] =	vst v63  }
0x8b: {  	_ =	swait.ge [sflag:s12], $0x8000  }
.Ltmp5:
0x8c: {  	[sflag:s12] =	ssyncset.done $0x0;
	(pc) =	sbr.rel .LBB2_4-.Ltmp5, $4  }
0x8d: {  	[sflag:s12] =	ssyncadd.s32 $0xFFFF8000  }
0x8e: {  	_ =	swait.ge [sflag:s13], $0x4000  }
0x8f: {  	[sflag:s13] =	ssyncset.done $0x0  }
0x90: {  	[sflag:s13] =	ssyncadd.s32 $0xFFFFC000  }
.LBB2_6:
0x91: {  	_ =	sfence.sel $0x180000  }
0x92: {  	[bflag:$0x0] =	sbarrier.arrive $0xFFFF  }
0x93: {  	_ =	strace $0x90000047  }
0x94: {  	s0 =	stileid.u32;
	[bflag:$0x2] =	sbarrier.arrive $0xFFFF  }
0x95: {  	p0 =	sne.s32 s0, $0x0;
	s0 =	rddreg [dreg:$0x2]  }
0x96: {  	s0 =	sadd.s32 @!p0 $0x100000, s0  }
0x97: {  	[sflag:s0] =	ssyncadd.tile.s32 @!p0 $0x1;
	_ =	shalt  }
.Lfunc_end2:
_tile_overlayer_lowered:
.L_overlay_start_2:
0x98: {  	(tag) =	ssettag $0x2  }
0x99: {  	s0 =	rddreg [dreg:$0x0];
	s2 =	stileid.u32  }
0x9a: {  	s1 =	rddreg [dreg:$0x1];
	p0 =	sne.s32 s2, $0x0  }
0x9b: {  	s3 =	rddreg [dreg:$0x2];
	[bflag:$0x3] =	sbarrier.arrive $0xFFFF;
	s2 =	simm.s32 @!p0 $0x1C03  }
0x9c: {  	[timem:s3], [sflag:s2] =	dma.local @!p0 [hbm:s0], s1  }
0x9d: {  	s0 =	simm.s32 @!p0 $0x3  }
0x9e: {  	_ =	swait.ge @!p0 [sflag:s0], s1  }
0x9f: {  	s1 =	ssub.s32 @!p0 $0x0, s1;
	[sflag:s0] =	ssyncset.done @!p0 $0x0  }
0xa0: {  	[sflag:s0] =	ssyncadd.s32 @!p0 s1  }
0xa1: {  	[bflag:$0x3] =	sbarrier.arrive $0xFFFF  }
0xa2: {  	_ =	shalt  }

</sc_bundles>
